<compile_context>
chip_gen: v7x
topology: tpu7x:2x2x1
jax: 0.10.2.dev20260603
libtpu: 0.0.44.dev20260713+nightly
codegen_flags: <defaults>
</compile_context>

<pallas_src>
import functools

import jax
import jax.numpy as jnp
from jax import lax
from jax.experimental import pallas as pl
from jax.experimental.pallas import tpu as pltpu
from jax.experimental.pallas import tpu_sc as plsc

B = 4096
L = 200
D = 128
LA = 128
LB = L - LA
LANES = 16
NCHUNK = D // LANES
NBUF = 3

_info = plsc.get_sparse_core_info()
_NC = _info.num_cores
_NS = _info.num_subcores
NW = _NC * _NS
RPW = B // NW


@functools.partial(
    pl.kernel,
    out_type=jax.ShapeDtypeStruct((B, D), jnp.float32),
    mesh=plsc.VectorSubcoreMesh(core_axis_name="c", subcore_axis_name="s"),
    scratch_types=[
        pltpu.VMEM((RPW, L), jnp.int32),
        pltpu.VMEM((NBUF, L, D), jnp.float32),
        pltpu.VMEM((RPW, D), jnp.float32),
        pltpu.SemaphoreType.DMA,
        pltpu.SemaphoreType.DMA,
        pltpu.SemaphoreType.DMA,
        pltpu.SemaphoreType.DMA,
        pltpu.SemaphoreType.DMA,
        pltpu.SemaphoreType.DMA,
    ],
)
def _bow_max_kernel(idx_hbm, table_hbm, out_hbm,
                    idx_v, rows_v, out_v,
                    sem0a, sem1a, sem2a, sem0b, sem1b, sem2b):
    wid = lax.axis_index("s") * _NC + lax.axis_index("c")
    base = wid * RPW

    pltpu.sync_copy(idx_hbm.at[pl.ds(base, RPW), :], idx_v)

    sems_a = (sem0a, sem1a, sem2a)
    sems_b = (sem0b, sem1b, sem2b)

    def gather(r, slot):
        a = pltpu.make_async_copy(
            table_hbm.at[idx_v.at[r, pl.ds(0, LA)]],
            rows_v.at[slot, pl.ds(0, LA)], sems_a[slot])
        b = pltpu.make_async_copy(
            table_hbm.at[idx_v.at[r, pl.ds(LA, LB)]],
            rows_v.at[slot, pl.ds(LA, LB)], sems_b[slot])
        return a, b

    def start_gather(r, slot):
        a, b = gather(r, slot)
        a.start()
        b.start()

    for p in range(NBUF - 1):
        start_gather(p, p)

    def do_row(r, slot):
        @pl.when(r < RPW - (NBUF - 1))
        def _():
            start_gather(r + NBUF - 1, (slot + NBUF - 1) % NBUF)

        wa, wb = gather(r, slot)

        def body(j, accs):
            return tuple(
                jnp.maximum(accs[c], rows_v[slot, j, pl.ds(c * LANES, LANES)])
                for c in range(NCHUNK))

        wa.wait()
        init = tuple(
            rows_v[slot, 0, pl.ds(c * LANES, LANES)] for c in range(NCHUNK))
        accs = lax.fori_loop(1, LA, body, init)
        wb.wait()
        accs = lax.fori_loop(LA, L, body, accs)
        for c in range(NCHUNK):
            out_v[r, pl.ds(c * LANES, LANES)] = accs[c]

    def outer(g, _):
        for b in range(NBUF):
            do_row(NBUF * g + b, b)
        return 0

    n_full = RPW // NBUF
    lax.fori_loop(0, n_full, outer, 0)
    for b in range(RPW - n_full * NBUF):
        do_row(n_full * NBUF + b, b)

    pltpu.sync_copy(out_v, out_hbm.at[pl.ds(base, RPW), :])


def kernel(inputs, emb_weight):
    return _bow_max_kernel(inputs, emb_weight)

# --- scband reference (transcript-rebuilt; emitter-appended) ---
"""Pipeline reference for scband-bowencoder-38886633898743 (READ-ONLY COPY).

The authoritative reference and input builder live on the scoring server;
editing this copy changes nothing except your own understanding.
"""

import jax, jax.numpy as jnp
import numpy as np

VOCAB = 100000
EMB_DIM = 128
BATCH = 4096
SEQ = 200


def setup_inputs(seed: int = 0) -> dict:
    key = jax.random.key(seed)
    k1, k2 = jax.random.split(key)
    inputs = jax.random.randint(k1, (BATCH, SEQ), 0, VOCAB, dtype=jnp.int32)
    emb_weight = jax.random.normal(k2, (VOCAB, EMB_DIM), dtype=jnp.float32)
    return {"inputs": inputs, "emb_weight": emb_weight}


def reference(inputs, emb_weight):
    # Embedding lookup: [B, L] -> [B, L, D]
    embedded = jnp.take(emb_weight, inputs, axis=0)
    # Dropout is identity in eval mode (faithful inference-time semantics).
    # Max-pool over the sequence dimension (torch.max(embedded, 1) -> values)
    max_vals = jnp.max(embedded, axis=1)
    return max_vals

if __name__ == "__main__":
    import jax
    _d = setup_inputs()
    print(jax.jit(kernel)(*tuple(_d.values())))

</pallas_src>

<mosaic_0001>
#map = affine_map<(d0, d1) -> (0, 0)>
module attributes {stable_mosaic.version = 14 : i64} {
  func.func @_bow_max_kernel(%arg0: i32, %arg1: i32, %arg2: memref<4096x200xi32, #tpu.memory_space<hbm>>, %arg3: memref<100000x128xf32, #tpu.memory_space<hbm>>, %arg4: memref<4096x128xf32, #tpu.memory_space<hbm>>, %arg5: memref<128x200xi32, #tpu.memory_space<vmem>>, %arg6: memref<3x200x128xf32, #tpu.memory_space<vmem>>, %arg7: memref<128x128xf32, #tpu.memory_space<vmem>>, %arg8: memref<!tpu.dma_semaphore, #tpu.memory_space<semaphore_mem>>, %arg9: memref<!tpu.dma_semaphore, #tpu.memory_space<semaphore_mem>>, %arg10: memref<!tpu.dma_semaphore, #tpu.memory_space<semaphore_mem>>, %arg11: memref<!tpu.dma_semaphore, #tpu.memory_space<semaphore_mem>>, %arg12: memref<!tpu.dma_semaphore, #tpu.memory_space<semaphore_mem>>, %arg13: memref<!tpu.dma_semaphore, #tpu.memory_space<semaphore_mem>>) attributes {dimension_semantics = [#tpu.dimension_semantics<core_parallel>, #tpu.dimension_semantics<subcore_parallel>], iteration_bounds = array<i64: 2, 16>, scalar_prefetch = 0 : i64, scratch_operands = 9 : i64, tpu.core_type = #tpu.core_type<sc_vector_subcore>, window_params = [{transform_indices = #map}, {transform_indices = #map}, {transform_indices = #map}]} {
    %mul3A = arith.constant 2 : i32
    %mul3A_0 = arith.muli %arg1, %mul3A : i32
    %add3A = arith.addi %mul3A_0, %arg0 : i32
    %mul3A_1 = arith.constant 128 : i32
    %mul3A_2 = arith.muli %add3A, %mul3A_1 : i32
    "tpu.region"() ({
      %run_scoped3A = tpu.sem_alloc : memref<!tpu.dma_semaphore, #tpu.memory_space<semaphore_mem>>
      %dma_start3A_333 = arith.constant 0 : i32
      %dma_start3A_334 = tpu.memref_slice %arg2[%mul3A_2, %dma_start3A_333] : memref<4096x200xi32, #tpu.memory_space<hbm>> -> memref<128x200xi32, #tpu.memory_space<hbm>>
      %dma_start3A_335 = arith.constant 0 : i32
      %dma_start3A_336 = tpu.memref_slice %arg2[%mul3A_2, %dma_start3A_335] : memref<4096x200xi32, #tpu.memory_space<hbm>> -> memref<128x200xi32, #tpu.memory_space<hbm>>
      tpu.enqueue_dma source(%dma_start3A_336 : memref<128x200xi32, #tpu.memory_space<hbm>>) target(%arg5 : memref<128x200xi32, #tpu.memory_space<vmem>>) target_semaphore(%run_scoped3A : memref<!tpu.dma_semaphore, #tpu.memory_space<semaphore_mem>>)
      %dma_wait3A_337 = arith.constant 0 : i32
      %dma_wait3A_338 = tpu.memref_slice %arg2[%mul3A_2, %dma_wait3A_337] : memref<4096x200xi32, #tpu.memory_space<hbm>> -> memref<128x200xi32, #tpu.memory_space<hbm>>
      %dma_wait3A_339 = arith.constant 0 : i32
      %dma_wait3A_340 = tpu.memref_slice %arg2[%mul3A_2, %dma_wait3A_339] : memref<4096x200xi32, #tpu.memory_space<hbm>> -> memref<128x200xi32, #tpu.memory_space<hbm>>
      tpu.wait_dma2 semaphore(%run_scoped3A : memref<!tpu.dma_semaphore, #tpu.memory_space<semaphore_mem>>) src(%dma_wait3A_340 : memref<128x200xi32, #tpu.memory_space<hbm>>) dst(%arg5 : memref<128x200xi32, #tpu.memory_space<vmem>>)
      tpu.yield
    }) : () -> ()
    %dma_start3A = arith.constant 0 : i32
    %dma_start3A_3 = arith.constant 0 : i32
    %dma_start3A_4 = arith.constant 0 : i32
    %dma_start3A_5 = arith.constant 0 : i32
    %dma_start3A_6 = tpu.memref_slice %arg6[%dma_start3A_3, %dma_start3A_4, %dma_start3A_5] : memref<3x200x128xf32, #tpu.memory_space<vmem>> -> memref<1x128x128xf32, #tpu.memory_space<vmem>>
    %dma_start3A_7 = tpu.memref_squeeze %dma_start3A_6 : memref<1x128x128xf32, #tpu.memory_space<vmem>> -> memref<128x128xf32, #tpu.memory_space<vmem>>
    %dma_start3A_8 = arith.constant 0 : i32
    %dma_start3A_9 = tpu.memref_slice %arg5[%dma_start3A, %dma_start3A_8] : memref<128x200xi32, #tpu.memory_space<vmem>> -> memref<1x128xi32, #tpu.memory_space<vmem>>
    %dma_start3A_10 = tpu.memref_squeeze %dma_start3A_9 : memref<1x128xi32, #tpu.memory_space<vmem>> -> memref<128xi32, #tpu.memory_space<vmem>>
    %dma_start3A_11 = arith.constant 0 : i32
    %dma_start3A_12 = arith.constant 0 : i32
    %dma_start3A_13 = tpu.memref_slice %arg3[%dma_start3A_11, %dma_start3A_12] : memref<100000x128xf32, #tpu.memory_space<hbm>> -> memref<100000x128xf32, #tpu.memory_space<hbm>>
    tpu.enqueue_indirect_dma source(%dma_start3A_13 : memref<100000x128xf32, #tpu.memory_space<hbm>>) target(%dma_start3A_7 : memref<128x128xf32, #tpu.memory_space<vmem>>) offsets(%dma_start3A_10 : memref<128xi32, #tpu.memory_space<vmem>>) semaphore(%arg8 : memref<!tpu.dma_semaphore, #tpu.memory_space<semaphore_mem>>)
    %dma_start3A_14 = arith.constant 0 : i32
    %dma_start3A_15 = arith.constant 0 : i32
    %dma_start3A_16 = arith.constant 128 : i32
    %dma_start3A_17 = arith.constant 0 : i32
    %dma_start3A_18 = tpu.memref_slice %arg6[%dma_start3A_15, %dma_start3A_16, %dma_start3A_17] : memref<3x200x128xf32, #tpu.memory_space<vmem>> -> memref<1x72x128xf32, #tpu.memory_space<vmem>>
    %dma_start3A_19 = tpu.memref_squeeze %dma_start3A_18 : memref<1x72x128xf32, #tpu.memory_space<vmem>> -> memref<72x128xf32, #tpu.memory_space<vmem>>
    %dma_start3A_20 = arith.constant 128 : i32
    %dma_start3A_21 = tpu.memref_slice %arg5[%dma_start3A_14, %dma_start3A_20] : memref<128x200xi32, #tpu.memory_space<vmem>> -> memref<1x72xi32, #tpu.memory_space<vmem>>
    %dma_start3A_22 = tpu.memref_squeeze %dma_start3A_21 : memref<1x72xi32, #tpu.memory_space<vmem>> -> memref<72xi32, #tpu.memory_space<vmem>>
    %dma_start3A_23 = arith.constant 0 : i32
    %dma_start3A_24 = arith.constant 0 : i32
    %dma_start3A_25 = tpu.memref_slice %arg3[%dma_start3A_23, %dma_start3A_24] : memref<100000x128xf32, #tpu.memory_space<hbm>> -> memref<100000x128xf32, #tpu.memory_space<hbm>>
    tpu.enqueue_indirect_dma source(%dma_start3A_25 : memref<100000x128xf32, #tpu.memory_space<hbm>>) target(%dma_start3A_19 : memref<72x128xf32, #tpu.memory_space<vmem>>) offsets(%dma_start3A_22 : memref<72xi32, #tpu.memory_space<vmem>>) semaphore(%arg11 : memref<!tpu.dma_semaphore, #tpu.memory_space<semaphore_mem>>)
    %dma_start3A_26 = arith.constant 1 : i32
    %dma_start3A_27 = arith.constant 1 : i32
    %dma_start3A_28 = arith.constant 0 : i32
    %dma_start3A_29 = arith.constant 0 : i32
    %dma_start3A_30 = tpu.memref_slice %arg6[%dma_start3A_27, %dma_start3A_28, %dma_start3A_29] : memref<3x200x128xf32, #tpu.memory_space<vmem>> -> memref<1x128x128xf32, #tpu.memory_space<vmem>>
    %dma_start3A_31 = tpu.memref_squeeze %dma_start3A_30 : memref<1x128x128xf32, #tpu.memory_space<vmem>> -> memref<128x128xf32, #tpu.memory_space<vmem>>
    %dma_start3A_32 = arith.constant 0 : i32
    %dma_start3A_33 = tpu.memref_slice %arg5[%dma_start3A_26, %dma_start3A_32] : memref<128x200xi32, #tpu.memory_space<vmem>> -> memref<1x128xi32, #tpu.memory_space<vmem>>
    %dma_start3A_34 = tpu.memref_squeeze %dma_start3A_33 : memref<1x128xi32, #tpu.memory_space<vmem>> -> memref<128xi32, #tpu.memory_space<vmem>>
    %dma_start3A_35 = arith.constant 0 : i32
    %dma_start3A_36 = arith.constant 0 : i32
    %dma_start3A_37 = tpu.memref_slice %arg3[%dma_start3A_35, %dma_start3A_36] : memref<100000x128xf32, #tpu.memory_space<hbm>> -> memref<100000x128xf32, #tpu.memory_space<hbm>>
    tpu.enqueue_indirect_dma source(%dma_start3A_37 : memref<100000x128xf32, #tpu.memory_space<hbm>>) target(%dma_start3A_31 : memref<128x128xf32, #tpu.memory_space<vmem>>) offsets(%dma_start3A_34 : memref<128xi32, #tpu.memory_space<vmem>>) semaphore(%arg9 : memref<!tpu.dma_semaphore, #tpu.memory_space<semaphore_mem>>)
    %dma_start3A_38 = arith.constant 1 : i32
    %dma_start3A_39 = arith.constant 1 : i32
    %dma_start3A_40 = arith.constant 128 : i32
    %dma_start3A_41 = arith.constant 0 : i32
    %dma_start3A_42 = tpu.memref_slice %arg6[%dma_start3A_39, %dma_start3A_40, %dma_start3A_41] : memref<3x200x128xf32, #tpu.memory_space<vmem>> -> memref<1x72x128xf32, #tpu.memory_space<vmem>>
    %dma_start3A_43 = tpu.memref_squeeze %dma_start3A_42 : memref<1x72x128xf32, #tpu.memory_space<vmem>> -> memref<72x128xf32, #tpu.memory_space<vmem>>
    %dma_start3A_44 = arith.constant 128 : i32
    %dma_start3A_45 = tpu.memref_slice %arg5[%dma_start3A_38, %dma_start3A_44] : memref<128x200xi32, #tpu.memory_space<vmem>> -> memref<1x72xi32, #tpu.memory_space<vmem>>
    %dma_start3A_46 = tpu.memref_squeeze %dma_start3A_45 : memref<1x72xi32, #tpu.memory_space<vmem>> -> memref<72xi32, #tpu.memory_space<vmem>>
    %dma_start3A_47 = arith.constant 0 : i32
    %dma_start3A_48 = arith.constant 0 : i32
    %dma_start3A_49 = tpu.memref_slice %arg3[%dma_start3A_47, %dma_start3A_48] : memref<100000x128xf32, #tpu.memory_space<hbm>> -> memref<100000x128xf32, #tpu.memory_space<hbm>>
    tpu.enqueue_indirect_dma source(%dma_start3A_49 : memref<100000x128xf32, #tpu.memory_space<hbm>>) target(%dma_start3A_43 : memref<72x128xf32, #tpu.memory_space<vmem>>) offsets(%dma_start3A_46 : memref<72xi32, #tpu.memory_space<vmem>>) semaphore(%arg12 : memref<!tpu.dma_semaphore, #tpu.memory_space<semaphore_mem>>)
    %scan3A = arith.constant 0 : i32
    %scan3A_50 = arith.constant 0 : i32
    %scan3A_51 = arith.constant 42 : i32
    %scan3A_52 = arith.addi %scan3A_50, %scan3A_51 : i32
    %scan3A_53 = arith.constant 1 : i32
    %scan3A_54 = scf.for %scan3A_333 = %scan3A_50 to %scan3A_52 step %scan3A_53 iter_args(%scan3A_334 = %scan3A) -> (i32)  : i32 {
      %mul3A_335 = arith.constant 3 : i32
      %mul3A_336 = arith.muli %mul3A_335, %scan3A_333 : i32
      %add3A_337 = arith.constant 0 : i32
      %add3A_338 = arith.addi %mul3A_336, %add3A_337 : i32
      %lt3A = arith.constant 126 : i32
      %lt3A_339 = arith.cmpi slt, %add3A_338, %lt3A : i32
      %convert_element_type3A = arith.extui %lt3A_339 : i1 to i32
      %cond3A = arith.constant 0 : i32
      %cond3A_340 = arith.cmpi ne, %convert_element_type3A, %cond3A : i32
      scf.if %cond3A_340 {
        %add3A_750 = arith.constant 3 : i32
        %add3A_751 = arith.addi %add3A_338, %add3A_750 : i32
        %sub3A = arith.constant 1 : i32
        %sub3A_752 = arith.subi %add3A_751, %sub3A : i32
        %dma_start3A_753 = arith.constant 2 : i32
        %dma_start3A_754 = arith.constant 0 : i32
        %dma_start3A_755 = arith.constant 0 : i32
        %dma_start3A_756 = tpu.memref_slice %arg6[%dma_start3A_753, %dma_start3A_754, %dma_start3A_755] : memref<3x200x128xf32, #tpu.memory_space<vmem>> -> memref<1x128x128xf32, #tpu.memory_space<vmem>>
        %dma_start3A_757 = tpu.memref_squeeze %dma_start3A_756 : memref<1x128x128xf32, #tpu.memory_space<vmem>> -> memref<128x128xf32, #tpu.memory_space<vmem>>
        %dma_start3A_758 = arith.constant 0 : i32
        %dma_start3A_759 = tpu.memref_slice %arg5[%sub3A_752, %dma_start3A_758] : memref<128x200xi32, #tpu.memory_space<vmem>> -> memref<1x128xi32, #tpu.memory_space<vmem>>
        %dma_start3A_760 = tpu.memref_squeeze %dma_start3A_759 : memref<1x128xi32, #tpu.memory_space<vmem>> -> memref<128xi32, #tpu.memory_space<vmem>>
        %dma_start3A_761 = arith.constant 0 : i32
        %dma_start3A_762 = arith.constant 0 : i32
        %dma_start3A_763 = tpu.memref_slice %arg3[%dma_start3A_761, %dma_start3A_762] : memref<100000x128xf32, #tpu.memory_space<hbm>> -> memref<100000x128xf32, #tpu.memory_space<hbm>>
        tpu.enqueue_indirect_dma source(%dma_start3A_763 : memref<100000x128xf32, #tpu.memory_space<hbm>>) target(%dma_start3A_757 : memref<128x128xf32, #tpu.memory_space<vmem>>) offsets(%dma_start3A_760 : memref<128xi32, #tpu.memory_space<vmem>>) semaphore(%arg10 : memref<!tpu.dma_semaphore, #tpu.memory_space<semaphore_mem>>)
        %dma_start3A_764 = arith.constant 2 : i32
        %dma_start3A_765 = arith.constant 128 : i32
        %dma_start3A_766 = arith.constant 0 : i32
        %dma_start3A_767 = tpu.memref_slice %arg6[%dma_start3A_764, %dma_start3A_765, %dma_start3A_766] : memref<3x200x128xf32, #tpu.memory_space<vmem>> -> memref<1x72x128xf32, #tpu.memory_space<vmem>>
        %dma_start3A_768 = tpu.memref_squeeze %dma_start3A_767 : memref<1x72x128xf32, #tpu.memory_space<vmem>> -> memref<72x128xf32, #tpu.memory_space<vmem>>
        %dma_start3A_769 = arith.constant 128 : i32
        %dma_start3A_770 = tpu.memref_slice %arg5[%sub3A_752, %dma_start3A_769] : memref<128x200xi32, #tpu.memory_space<vmem>> -> memref<1x72xi32, #tpu.memory_space<vmem>>
        %dma_start3A_771 = tpu.memref_squeeze %dma_start3A_770 : memref<1x72xi32, #tpu.memory_space<vmem>> -> memref<72xi32, #tpu.memory_space<vmem>>
        %dma_start3A_772 = arith.constant 0 : i32
        %dma_start3A_773 = arith.constant 0 : i32
        %dma_start3A_774 = tpu.memref_slice %arg3[%dma_start3A_772, %dma_start3A_773] : memref<100000x128xf32, #tpu.memory_space<hbm>> -> memref<100000x128xf32, #tpu.memory_space<hbm>>
        tpu.enqueue_indirect_dma source(%dma_start3A_774 : memref<100000x128xf32, #tpu.memory_space<hbm>>) target(%dma_start3A_768 : memref<72x128xf32, #tpu.memory_space<vmem>>) offsets(%dma_start3A_771 : memref<72xi32, #tpu.memory_space<vmem>>) semaphore(%arg13 : memref<!tpu.dma_semaphore, #tpu.memory_space<semaphore_mem>>)
      } else {
      }
      %dma_wait3A_341 = arith.constant 0 : i32
      %dma_wait3A_342 = arith.constant 0 : i32
      %dma_wait3A_343 = arith.constant 0 : i32
      %dma_wait3A_344 = tpu.memref_slice %arg6[%dma_wait3A_341, %dma_wait3A_342, %dma_wait3A_343] : memref<3x200x128xf32, #tpu.memory_space<vmem>> -> memref<1x128x128xf32, #tpu.memory_space<vmem>>
      %dma_wait3A_345 = tpu.memref_squeeze %dma_wait3A_344 : memref<1x128x128xf32, #tpu.memory_space<vmem>> -> memref<128x128xf32, #tpu.memory_space<vmem>>
      %dma_wait3A_346 = arith.constant 0 : i32
      %dma_wait3A_347 = tpu.memref_slice %arg5[%add3A_338, %dma_wait3A_346] : memref<128x200xi32, #tpu.memory_space<vmem>> -> memref<1x128xi32, #tpu.memory_space<vmem>>
      %dma_wait3A_348 = tpu.memref_squeeze %dma_wait3A_347 : memref<1x128xi32, #tpu.memory_space<vmem>> -> memref<128xi32, #tpu.memory_space<vmem>>
      %dma_wait3A_349 = arith.constant 0 : i32
      %dma_wait3A_350 = arith.constant 0 : i32
      %dma_wait3A_351 = tpu.memref_slice %arg3[%dma_wait3A_349, %dma_wait3A_350] : memref<100000x128xf32, #tpu.memory_space<hbm>> -> memref<100000x128xf32, #tpu.memory_space<hbm>>
      tpu.wait_indirect_dma semaphore(%arg8 : memref<!tpu.dma_semaphore, #tpu.memory_space<semaphore_mem>>) src(%dma_wait3A_351 : memref<100000x128xf32, #tpu.memory_space<hbm>>) dst(%dma_wait3A_345 : memref<128x128xf32, #tpu.memory_space<vmem>>)
      %get3A_352 = arith.constant 0 : i32
      %get3A_353 = arith.constant 0 : i32
      %get3A_354 = arith.index_cast %get3A_352 : i32 to index
      %get3A_355 = arith.index_cast %get3A_353 : i32 to index
      %get3A_356 = arith.constant 0 : index
      %get3A_357 = tpu.vector_load %arg6[%get3A_354, %get3A_355, %get3A_356] {strides = array<i32>} : memref<3x200x128xf32, #tpu.memory_space<vmem>>, vector<1x1x16xf32>,
      %get3A_358 = vector.shape_cast %get3A_357 : vector<1x1x16xf32> to vector<16xf32>
      %get3A_359 = arith.constant 0 : i32
      %get3A_360 = arith.constant 0 : i32
      %get3A_361 = arith.index_cast %get3A_359 : i32 to index
      %get3A_362 = arith.index_cast %get3A_360 : i32 to index
      %get3A_363 = arith.constant 16 : index
      %get3A_364 = tpu.vector_load %arg6[%get3A_361, %get3A_362, %get3A_363] {strides = array<i32>} : memref<3x200x128xf32, #tpu.memory_space<vmem>>, vector<1x1x16xf32>,
      %get3A_365 = vector.shape_cast %get3A_364 : vector<1x1x16xf32> to vector<16xf32>
      %get3A_366 = arith.constant 0 : i32
      %get3A_367 = arith.constant 0 : i32
      %get3A_368 = arith.index_cast %get3A_366 : i32 to index
      %get3A_369 = arith.index_cast %get3A_367 : i32 to index
      %get3A_370 = arith.constant 32 : index
      %get3A_371 = tpu.vector_load %arg6[%get3A_368, %get3A_369, %get3A_370] {strides = array<i32>} : memref<3x200x128xf32, #tpu.memory_space<vmem>>, vector<1x1x16xf32>,
      %get3A_372 = vector.shape_cast %get3A_371 : vector<1x1x16xf32> to vector<16xf32>
      %get3A_373 = arith.constant 0 : i32
      %get3A_374 = arith.constant 0 : i32
      %get3A_375 = arith.index_cast %get3A_373 : i32 to index
      %get3A_376 = arith.index_cast %get3A_374 : i32 to index
      %get3A_377 = arith.constant 48 : index
      %get3A_378 = tpu.vector_load %arg6[%get3A_375, %get3A_376, %get3A_377] {strides = array<i32>} : memref<3x200x128xf32, #tpu.memory_space<vmem>>, vector<1x1x16xf32>,
      %get3A_379 = vector.shape_cast %get3A_378 : vector<1x1x16xf32> to vector<16xf32>
      %get3A_380 = arith.constant 0 : i32
      %get3A_381 = arith.constant 0 : i32
      %get3A_382 = arith.index_cast %get3A_380 : i32 to index
      %get3A_383 = arith.index_cast %get3A_381 : i32 to index
      %get3A_384 = arith.constant 64 : index
      %get3A_385 = tpu.vector_load %arg6[%get3A_382, %get3A_383, %get3A_384] {strides = array<i32>} : memref<3x200x128xf32, #tpu.memory_space<vmem>>, vector<1x1x16xf32>,
      %get3A_386 = vector.shape_cast %get3A_385 : vector<1x1x16xf32> to vector<16xf32>
      %get3A_387 = arith.constant 0 : i32
      %get3A_388 = arith.constant 0 : i32
      %get3A_389 = arith.index_cast %get3A_387 : i32 to index
      %get3A_390 = arith.index_cast %get3A_388 : i32 to index
      %get3A_391 = arith.constant 80 : index
      %get3A_392 = tpu.vector_load %arg6[%get3A_389, %get3A_390, %get3A_391] {strides = array<i32>} : memref<3x200x128xf32, #tpu.memory_space<vmem>>, vector<1x1x16xf32>,
      %get3A_393 = vector.shape_cast %get3A_392 : vector<1x1x16xf32> to vector<16xf32>
      %get3A_394 = arith.constant 0 : i32
      %get3A_395 = arith.constant 0 : i32
      %get3A_396 = arith.index_cast %get3A_394 : i32 to index
      %get3A_397 = arith.index_cast %get3A_395 : i32 to index
      %get3A_398 = arith.constant 96 : index
      %get3A_399 = tpu.vector_load %arg6[%get3A_396, %get3A_397, %get3A_398] {strides = array<i32>} : memref<3x200x128xf32, #tpu.memory_space<vmem>>, vector<1x1x16xf32>,
      %get3A_400 = vector.shape_cast %get3A_399 : vector<1x1x16xf32> to vector<16xf32>
      %get3A_401 = arith.constant 0 : i32
      %get3A_402 = arith.constant 0 : i32
      %get3A_403 = arith.index_cast %get3A_401 : i32 to index
      %get3A_404 = arith.index_cast %get3A_402 : i32 to index
      %get3A_405 = arith.constant 112 : index
      %get3A_406 = tpu.vector_load %arg6[%get3A_403, %get3A_404, %get3A_405] {strides = array<i32>} : memref<3x200x128xf32, #tpu.memory_space<vmem>>, vector<1x1x16xf32>,
      %get3A_407 = vector.shape_cast %get3A_406 : vector<1x1x16xf32> to vector<16xf32>
      %scan3A_408 = arith.constant 1 : i32
      %scan3A_409 = arith.constant 127 : i32
      %scan3A_410 = arith.addi %scan3A_408, %scan3A_409 : i32
      %scan3A_411 = arith.constant 1 : i32
      %scan3A_412:8 = scf.for %scan3A_750 = %scan3A_408 to %scan3A_410 step %scan3A_411 iter_args(%scan3A_751 = %get3A_358, %scan3A_752 = %get3A_365, %scan3A_753 = %get3A_372, %scan3A_754 = %get3A_379, %scan3A_755 = %get3A_386, %scan3A_756 = %get3A_393, %scan3A_757 = %get3A_400, %scan3A_758 = %get3A_407) -> (vector<16xf32>, vector<16xf32>, vector<16xf32>, vector<16xf32>, vector<16xf32>, vector<16xf32>, vector<16xf32>, vector<16xf32>)  : i32 {
        %get3A_759 = arith.constant 0 : i32
        %get3A_760 = arith.index_cast %get3A_759 : i32 to index
        %get3A_761 = arith.index_cast %scan3A_750 : i32 to index
        %get3A_762 = arith.constant 0 : index
        %get3A_763 = tpu.vector_load %arg6[%get3A_760, %get3A_761, %get3A_762] {strides = array<i32>} : memref<3x200x128xf32, #tpu.memory_space<vmem>>, vector<1x1x16xf32>,
        %get3A_764 = vector.shape_cast %get3A_763 : vector<1x1x16xf32> to vector<16xf32>
        %max3A = arith.maximumf %scan3A_751, %get3A_764 : vector<16xf32>
        %get3A_765 = arith.constant 0 : i32
        %get3A_766 = arith.index_cast %get3A_765 : i32 to index
        %get3A_767 = arith.index_cast %scan3A_750 : i32 to index
        %get3A_768 = arith.constant 16 : index
        %get3A_769 = tpu.vector_load %arg6[%get3A_766, %get3A_767, %get3A_768] {strides = array<i32>} : memref<3x200x128xf32, #tpu.memory_space<vmem>>, vector<1x1x16xf32>,
        %get3A_770 = vector.shape_cast %get3A_769 : vector<1x1x16xf32> to vector<16xf32>
        %max3A_771 = arith.maximumf %scan3A_752, %get3A_770 : vector<16xf32>
        %get3A_772 = arith.constant 0 : i32
        %get3A_773 = arith.index_cast %get3A_772 : i32 to index
        %get3A_774 = arith.index_cast %scan3A_750 : i32 to index
        %get3A_775 = arith.constant 32 : index
        %get3A_776 = tpu.vector_load %arg6[%get3A_773, %get3A_774, %get3A_775] {strides = array<i32>} : memref<3x200x128xf32, #tpu.memory_space<vmem>>, vector<1x1x16xf32>,
        %get3A_777 = vector.shape_cast %get3A_776 : vector<1x1x16xf32> to vector<16xf32>
        %max3A_778 = arith.maximumf %scan3A_753, %get3A_777 : vector<16xf32>
        %get3A_779 = arith.constant 0 : i32
        %get3A_780 = arith.index_cast %get3A_779 : i32 to index
        %get3A_781 = arith.index_cast %scan3A_750 : i32 to index
        %get3A_782 = arith.constant 48 : index
        %get3A_783 = tpu.vector_load %arg6[%get3A_780, %get3A_781, %get3A_782] {strides = array<i32>} : memref<3x200x128xf32, #tpu.memory_space<vmem>>, vector<1x1x16xf32>,
        %get3A_784 = vector.shape_cast %get3A_783 : vector<1x1x16xf32> to vector<16xf32>
        %max3A_785 = arith.maximumf %scan3A_754, %get3A_784 : vector<16xf32>
        %get3A_786 = arith.constant 0 : i32
        %get3A_787 = arith.index_cast %get3A_786 : i32 to index
        %get3A_788 = arith.index_cast %scan3A_750 : i32 to index
        %get3A_789 = arith.constant 64 : index
        %get3A_790 = tpu.vector_load %arg6[%get3A_787, %get3A_788, %get3A_789] {strides = array<i32>} : memref<3x200x128xf32, #tpu.memory_space<vmem>>, vector<1x1x16xf32>,
        %get3A_791 = vector.shape_cast %get3A_790 : vector<1x1x16xf32> to vector<16xf32>
        %max3A_792 = arith.maximumf %scan3A_755, %get3A_791 : vector<16xf32>
        %get3A_793 = arith.constant 0 : i32
        %get3A_794 = arith.index_cast %get3A_793 : i32 to index
        %get3A_795 = arith.index_cast %scan3A_750 : i32 to index
        %get3A_796 = arith.constant 80 : index
        %get3A_797 = tpu.vector_load %arg6[%get3A_794, %get3A_795, %get3A_796] {strides = array<i32>} : memref<3x200x128xf32, #tpu.memory_space<vmem>>, vector<1x1x16xf32>,
        %get3A_798 = vector.shape_cast %get3A_797 : vector<1x1x16xf32> to vector<16xf32>
        %max3A_799 = arith.maximumf %scan3A_756, %get3A_798 : vector<16xf32>
        %get3A_800 = arith.constant 0 : i32
        %get3A_801 = arith.index_cast %get3A_800 : i32 to index
        %get3A_802 = arith.index_cast %scan3A_750 : i32 to index
        %get3A_803 = arith.constant 96 : index
        %get3A_804 = tpu.vector_load %arg6[%get3A_801, %get3A_802, %get3A_803] {strides = array<i32>} : memref<3x200x128xf32, #tpu.memory_space<vmem>>, vector<1x1x16xf32>,
        %get3A_805 = vector.shape_cast %get3A_804 : vector<1x1x16xf32> to vector<16xf32>
        %max3A_806 = arith.maximumf %scan3A_757, %get3A_805 : vector<16xf32>
        %get3A_807 = arith.constant 0 : i32
        %get3A_808 = arith.index_cast %get3A_807 : i32 to index
        %get3A_809 = arith.index_cast %scan3A_750 : i32 to index
        %get3A_810 = arith.constant 112 : index
        %get3A_811 = tpu.vector_load %arg6[%get3A_808, %get3A_809, %get3A_810] {strides = array<i32>} : memref<3x200x128xf32, #tpu.memory_space<vmem>>, vector<1x1x16xf32>,
        %get3A_812 = vector.shape_cast %get3A_811 : vector<1x1x16xf32> to vector<16xf32>
        %max3A_813 = arith.maximumf %scan3A_758, %get3A_812 : vector<16xf32>
        scf.yield %max3A, %max3A_771, %max3A_778, %max3A_785, %max3A_792, %max3A_799, %max3A_806, %max3A_813 : vector<16xf32>, vector<16xf32>, vector<16xf32>, vector<16xf32>, vector<16xf32>, vector<16xf32>, vector<16xf32>, vector<16xf32>
      }
      %scan3A_413 = arith.constant 127 : i32
      %dma_wait3A_414 = arith.constant 0 : i32
      %dma_wait3A_415 = arith.constant 128 : i32
      %dma_wait3A_416 = arith.constant 0 : i32
      %dma_wait3A_417 = tpu.memref_slice %arg6[%dma_wait3A_414, %dma_wait3A_415, %dma_wait3A_416] : memref<3x200x128xf32, #tpu.memory_space<vmem>> -> memref<1x72x128xf32, #tpu.memory_space<vmem>>
      %dma_wait3A_418 = tpu.memref_squeeze %dma_wait3A_417 : memref<1x72x128xf32, #tpu.memory_space<vmem>> -> memref<72x128xf32, #tpu.memory_space<vmem>>
      %dma_wait3A_419 = arith.constant 128 : i32
      %dma_wait3A_420 = tpu.memref_slice %arg5[%add3A_338, %dma_wait3A_419] : memref<128x200xi32, #tpu.memory_space<vmem>> -> memref<1x72xi32, #tpu.memory_space<vmem>>
      %dma_wait3A_421 = tpu.memref_squeeze %dma_wait3A_420 : memref<1x72xi32, #tpu.memory_space<vmem>> -> memref<72xi32, #tpu.memory_space<vmem>>
      %dma_wait3A_422 = arith.constant 0 : i32
      %dma_wait3A_423 = arith.constant 0 : i32
      %dma_wait3A_424 = tpu.memref_slice %arg3[%dma_wait3A_422, %dma_wait3A_423] : memref<100000x128xf32, #tpu.memory_space<hbm>> -> memref<100000x128xf32, #tpu.memory_space<hbm>>
      tpu.wait_indirect_dma semaphore(%arg11 : memref<!tpu.dma_semaphore, #tpu.memory_space<semaphore_mem>>) src(%dma_wait3A_424 : memref<100000x128xf32, #tpu.memory_space<hbm>>) dst(%dma_wait3A_418 : memref<72x128xf32, #tpu.memory_space<vmem>>)
      %scan3A_425 = arith.constant 128 : i32
      %scan3A_426 = arith.constant 72 : i32
      %scan3A_427 = arith.addi %scan3A_425, %scan3A_426 : i32
      %scan3A_428 = arith.constant 1 : i32
      %scan3A_429:8 = scf.for %scan3A_750 = %scan3A_425 to %scan3A_427 step %scan3A_428 iter_args(%scan3A_751 = %scan3A_412#0, %scan3A_752 = %scan3A_412#1, %scan3A_753 = %scan3A_412#2, %scan3A_754 = %scan3A_412#3, %scan3A_755 = %scan3A_412#4, %scan3A_756 = %scan3A_412#5, %scan3A_757 = %scan3A_412#6, %scan3A_758 = %scan3A_412#7) -> (vector<16xf32>, vector<16xf32>, vector<16xf32>, vector<16xf32>, vector<16xf32>, vector<16xf32>, vector<16xf32>, vector<16xf32>)  : i32 {
        %get3A_759 = arith.constant 0 : i32
        %get3A_760 = arith.index_cast %get3A_759 : i32 to index
        %get3A_761 = arith.index_cast %scan3A_750 : i32 to index
        %get3A_762 = arith.constant 0 : index
        %get3A_763 = tpu.vector_load %arg6[%get3A_760, %get3A_761, %get3A_762] {strides = array<i32>} : memref<3x200x128xf32, #tpu.memory_space<vmem>>, vector<1x1x16xf32>,
        %get3A_764 = vector.shape_cast %get3A_763 : vector<1x1x16xf32> to vector<16xf32>
        %max3A = arith.maximumf %scan3A_751, %get3A_764 : vector<16xf32>
        %get3A_765 = arith.constant 0 : i32
        %get3A_766 = arith.index_cast %get3A_765 : i32 to index
        %get3A_767 = arith.index_cast %scan3A_750 : i32 to index
        %get3A_768 = arith.constant 16 : index
        %get3A_769 = tpu.vector_load %arg6[%get3A_766, %get3A_767, %get3A_768] {strides = array<i32>} : memref<3x200x128xf32, #tpu.memory_space<vmem>>, vector<1x1x16xf32>,
        %get3A_770 = vector.shape_cast %get3A_769 : vector<1x1x16xf32> to vector<16xf32>
        %max3A_771 = arith.maximumf %scan3A_752, %get3A_770 : vector<16xf32>
        %get3A_772 = arith.constant 0 : i32
        %get3A_773 = arith.index_cast %get3A_772 : i32 to index
        %get3A_774 = arith.index_cast %scan3A_750 : i32 to index
        %get3A_775 = arith.constant 32 : index
        %get3A_776 = tpu.vector_load %arg6[%get3A_773, %get3A_774, %get3A_775] {strides = array<i32>} : memref<3x200x128xf32, #tpu.memory_space<vmem>>, vector<1x1x16xf32>,
        %get3A_777 = vector.shape_cast %get3A_776 : vector<1x1x16xf32> to vector<16xf32>
        %max3A_778 = arith.maximumf %scan3A_753, %get3A_777 : vector<16xf32>
        %get3A_779 = arith.constant 0 : i32
        %get3A_780 = arith.index_cast %get3A_779 : i32 to index
        %get3A_781 = arith.index_cast %scan3A_750 : i32 to index
        %get3A_782 = arith.constant 48 : index
        %get3A_783 = tpu.vector_load %arg6[%get3A_780, %get3A_781, %get3A_782] {strides = array<i32>} : memref<3x200x128xf32, #tpu.memory_space<vmem>>, vector<1x1x16xf32>,
        %get3A_784 = vector.shape_cast %get3A_783 : vector<1x1x16xf32> to vector<16xf32>
        %max3A_785 = arith.maximumf %scan3A_754, %get3A_784 : vector<16xf32>
        %get3A_786 = arith.constant 0 : i32
        %get3A_787 = arith.index_cast %get3A_786 : i32 to index
        %get3A_788 = arith.index_cast %scan3A_750 : i32 to index
        %get3A_789 = arith.constant 64 : index
        %get3A_790 = tpu.vector_load %arg6[%get3A_787, %get3A_788, %get3A_789] {strides = array<i32>} : memref<3x200x128xf32, #tpu.memory_space<vmem>>, vector<1x1x16xf32>,
        %get3A_791 = vector.shape_cast %get3A_790 : vector<1x1x16xf32> to vector<16xf32>
        %max3A_792 = arith.maximumf %scan3A_755, %get3A_791 : vector<16xf32>
        %get3A_793 = arith.constant 0 : i32
        %get3A_794 = arith.index_cast %get3A_793 : i32 to index
        %get3A_795 = arith.index_cast %scan3A_750 : i32 to index
        %get3A_796 = arith.constant 80 : index
        %get3A_797 = tpu.vector_load %arg6[%get3A_794, %get3A_795, %get3A_796] {strides = array<i32>} : memref<3x200x128xf32, #tpu.memory_space<vmem>>, vector<1x1x16xf32>,
        %get3A_798 = vector.shape_cast %get3A_797 : vector<1x1x16xf32> to vector<16xf32>
        %max3A_799 = arith.maximumf %scan3A_756, %get3A_798 : vector<16xf32>
        %get3A_800 = arith.constant 0 : i32
        %get3A_801 = arith.index_cast %get3A_800 : i32 to index
        %get3A_802 = arith.index_cast %scan3A_750 : i32 to index
        %get3A_803 = arith.constant 96 : index
        %get3A_804 = tpu.vector_load %arg6[%get3A_801, %get3A_802, %get3A_803] {strides = array<i32>} : memref<3x200x128xf32, #tpu.memory_space<vmem>>, vector<1x1x16xf32>,
        %get3A_805 = vector.shape_cast %get3A_804 : vector<1x1x16xf32> to vector<16xf32>
        %max3A_806 = arith.maximumf %scan3A_757, %get3A_805 : vector<16xf32>
        %get3A_807 = arith.constant 0 : i32
        %get3A_808 = arith.index_cast %get3A_807 : i32 to index
        %get3A_809 = arith.index_cast %scan3A_750 : i32 to index
        %get3A_810 = arith.constant 112 : index
        %get3A_811 = tpu.vector_load %arg6[%get3A_808, %get3A_809, %get3A_810] {strides = array<i32>} : memref<3x200x128xf32, #tpu.memory_space<vmem>>, vector<1x1x16xf32>,
        %get3A_812 = vector.shape_cast %get3A_811 : vector<1x1x16xf32> to vector<16xf32>
        %max3A_813 = arith.maximumf %scan3A_758, %get3A_812 : vector<16xf32>
        scf.yield %max3A, %max3A_771, %max3A_778, %max3A_785, %max3A_792, %max3A_799, %max3A_806, %max3A_813 : vector<16xf32>, vector<16xf32>, vector<16xf32>, vector<16xf32>, vector<16xf32>, vector<16xf32>, vector<16xf32>, vector<16xf32>
      }
      %scan3A_430 = arith.constant 72 : i32
      %swap3A_431 = arith.index_cast %add3A_338 : i32 to index
      %swap3A_432 = arith.constant 0 : index
      %swap3A_433 = tpu.vector_load %arg7[%swap3A_431, %swap3A_432] {strides = array<i32>} : memref<128x128xf32, #tpu.memory_space<vmem>>, vector<1x16xf32>,
      %swap3A_434 = vector.shape_cast %swap3A_433 : vector<1x16xf32> to vector<16xf32>
      %swap3A_435 = vector.shape_cast %scan3A_429#0 : vector<16xf32> to vector<1x16xf32>
      tpu.vector_store %arg7[%swap3A_431, %swap3A_432], %swap3A_435 {strides = array<i32>} : memref<128x128xf32, #tpu.memory_space<vmem>>, vector<1x16xf32>,
      %swap3A_436 = arith.index_cast %add3A_338 : i32 to index
      %swap3A_437 = arith.constant 16 : index
      %swap3A_438 = tpu.vector_load %arg7[%swap3A_436, %swap3A_437] {strides = array<i32>} : memref<128x128xf32, #tpu.memory_space<vmem>>, vector<1x16xf32>,
      %swap3A_439 = vector.shape_cast %swap3A_438 : vector<1x16xf32> to vector<16xf32>
      %swap3A_440 = vector.shape_cast %scan3A_429#1 : vector<16xf32> to vector<1x16xf32>
      tpu.vector_store %arg7[%swap3A_436, %swap3A_437], %swap3A_440 {strides = array<i32>} : memref<128x128xf32, #tpu.memory_space<vmem>>, vector<1x16xf32>,
      %swap3A_441 = arith.index_cast %add3A_338 : i32 to index
      %swap3A_442 = arith.constant 32 : index
      %swap3A_443 = tpu.vector_load %arg7[%swap3A_441, %swap3A_442] {strides = array<i32>} : memref<128x128xf32, #tpu.memory_space<vmem>>, vector<1x16xf32>,
      %swap3A_444 = vector.shape_cast %swap3A_443 : vector<1x16xf32> to vector<16xf32>
      %swap3A_445 = vector.shape_cast %scan3A_429#2 : vector<16xf32> to vector<1x16xf32>
      tpu.vector_store %arg7[%swap3A_441, %swap3A_442], %swap3A_445 {strides = array<i32>} : memref<128x128xf32, #tpu.memory_space<vmem>>, vector<1x16xf32>,
      %swap3A_446 = arith.index_cast %add3A_338 : i32 to index
      %swap3A_447 = arith.constant 48 : index
      %swap3A_448 = tpu.vector_load %arg7[%swap3A_446, %swap3A_447] {strides = array<i32>} : memref<128x128xf32, #tpu.memory_space<vmem>>, vector<1x16xf32>,
      %swap3A_449 = vector.shape_cast %swap3A_448 : vector<1x16xf32> to vector<16xf32>
      %swap3A_450 = vector.shape_cast %scan3A_429#3 : vector<16xf32> to vector<1x16xf32>
      tpu.vector_store %arg7[%swap3A_446, %swap3A_447], %swap3A_450 {strides = array<i32>} : memref<128x128xf32, #tpu.memory_space<vmem>>, vector<1x16xf32>,
      %swap3A_451 = arith.index_cast %add3A_338 : i32 to index
      %swap3A_452 = arith.constant 64 : index
      %swap3A_453 = tpu.vector_load %arg7[%swap3A_451, %swap3A_452] {strides = array<i32>} : memref<128x128xf32, #tpu.memory_space<vmem>>, vector<1x16xf32>,
      %swap3A_454 = vector.shape_cast %swap3A_453 : vector<1x16xf32> to vector<16xf32>
      %swap3A_455 = vector.shape_cast %scan3A_429#4 : vector<16xf32> to vector<1x16xf32>
      tpu.vector_store %arg7[%swap3A_451, %swap3A_452], %swap3A_455 {strides = array<i32>} : memref<128x128xf32, #tpu.memory_space<vmem>>, vector<1x16xf32>,
      %swap3A_456 = arith.index_cast %add3A_338 : i32 to index
      %swap3A_457 = arith.constant 80 : index
      %swap3A_458 = tpu.vector_load %arg7[%swap3A_456, %swap3A_457] {strides = array<i32>} : memref<128x128xf32, #tpu.memory_space<vmem>>, vector<1x16xf32>,
      %swap3A_459 = vector.shape_cast %swap3A_458 : vector<1x16xf32> to vector<16xf32>
      %swap3A_460 = vector.shape_cast %scan3A_429#5 : vector<16xf32> to vector<1x16xf32>
      tpu.vector_store %arg7[%swap3A_456, %swap3A_457], %swap3A_460 {strides = array<i32>} : memref<128x128xf32, #tpu.memory_space<vmem>>, vector<1x16xf32>,
      %swap3A_461 = arith.index_cast %add3A_338 : i32 to index
      %swap3A_462 = arith.constant 96 : index
      %swap3A_463 = tpu.vector_load %arg7[%swap3A_461, %swap3A_462] {strides = array<i32>} : memref<128x128xf32, #tpu.memory_space<vmem>>, vector<1x16xf32>,
      %swap3A_464 = vector.shape_cast %swap3A_463 : vector<1x16xf32> to vector<16xf32>
      %swap3A_465 = vector.shape_cast %scan3A_429#6 : vector<16xf32> to vector<1x16xf32>
      tpu.vector_store %arg7[%swap3A_461, %swap3A_462], %swap3A_465 {strides = array<i32>} : memref<128x128xf32, #tpu.memory_space<vmem>>, vector<1x16xf32>,
      %swap3A_466 = arith.index_cast %add3A_338 : i32 to index
      %swap3A_467 = arith.constant 112 : index
      %swap3A_468 = tpu.vector_load %arg7[%swap3A_466, %swap3A_467] {strides = array<i32>} : memref<128x128xf32, #tpu.memory_space<vmem>>, vector<1x16xf32>,
      %swap3A_469 = vector.shape_cast %swap3A_468 : vector<1x16xf32> to vector<16xf32>
      %swap3A_470 = vector.shape_cast %scan3A_429#7 : vector<16xf32> to vector<1x16xf32>
      tpu.vector_store %arg7[%swap3A_466, %swap3A_467], %swap3A_470 {strides = array<i32>} : memref<128x128xf32, #tpu.memory_space<vmem>>, vector<1x16xf32>,
      %mul3A_471 = arith.constant 3 : i32
      %mul3A_472 = arith.muli %mul3A_471, %scan3A_333 : i32
      %add3A_473 = arith.constant 1 : i32
      %add3A_474 = arith.addi %mul3A_472, %add3A_473 : i32
      %lt3A_475 = arith.constant 126 : i32
      %lt3A_476 = arith.cmpi slt, %add3A_474, %lt3A_475 : i32
      %convert_element_type3A_477 = arith.extui %lt3A_476 : i1 to i32
      %cond3A_478 = arith.constant 0 : i32
      %cond3A_479 = arith.cmpi ne, %convert_element_type3A_477, %cond3A_478 : i32
      scf.if %cond3A_479 {
        %add3A_750 = arith.constant 3 : i32
        %add3A_751 = arith.addi %add3A_474, %add3A_750 : i32
        %sub3A = arith.constant 1 : i32
        %sub3A_752 = arith.subi %add3A_751, %sub3A : i32
        %dma_start3A_753 = arith.constant 0 : i32
        %dma_start3A_754 = arith.constant 0 : i32
        %dma_start3A_755 = arith.constant 0 : i32
        %dma_start3A_756 = tpu.memref_slice %arg6[%dma_start3A_753, %dma_start3A_754, %dma_start3A_755] : memref<3x200x128xf32, #tpu.memory_space<vmem>> -> memref<1x128x128xf32, #tpu.memory_space<vmem>>
        %dma_start3A_757 = tpu.memref_squeeze %dma_start3A_756 : memref<1x128x128xf32, #tpu.memory_space<vmem>> -> memref<128x128xf32, #tpu.memory_space<vmem>>
        %dma_start3A_758 = arith.constant 0 : i32
        %dma_start3A_759 = tpu.memref_slice %arg5[%sub3A_752, %dma_start3A_758] : memref<128x200xi32, #tpu.memory_space<vmem>> -> memref<1x128xi32, #tpu.memory_space<vmem>>
        %dma_start3A_760 = tpu.memref_squeeze %dma_start3A_759 : memref<1x128xi32, #tpu.memory_space<vmem>> -> memref<128xi32, #tpu.memory_space<vmem>>
        %dma_start3A_761 = arith.constant 0 : i32
        %dma_start3A_762 = arith.constant 0 : i32
        %dma_start3A_763 = tpu.memref_slice %arg3[%dma_start3A_761, %dma_start3A_762] : memref<100000x128xf32, #tpu.memory_space<hbm>> -> memref<100000x128xf32, #tpu.memory_space<hbm>>
        tpu.enqueue_indirect_dma source(%dma_start3A_763 : memref<100000x128xf32, #tpu.memory_space<hbm>>) target(%dma_start3A_757 : memref<128x128xf32, #tpu.memory_space<vmem>>) offsets(%dma_start3A_760 : memref<128xi32, #tpu.memory_space<vmem>>) semaphore(%arg8 : memref<!tpu.dma_semaphore, #tpu.memory_space<semaphore_mem>>)
        %dma_start3A_764 = arith.constant 0 : i32
        %dma_start3A_765 = arith.constant 128 : i32
        %dma_start3A_766 = arith.constant 0 : i32
        %dma_start3A_767 = tpu.memref_slice %arg6[%dma_start3A_764, %dma_start3A_765, %dma_start3A_766] : memref<3x200x128xf32, #tpu.memory_space<vmem>> -> memref<1x72x128xf32, #tpu.memory_space<vmem>>
        %dma_start3A_768 = tpu.memref_squeeze %dma_start3A_767 : memref<1x72x128xf32, #tpu.memory_space<vmem>> -> memref<72x128xf32, #tpu.memory_space<vmem>>
        %dma_start3A_769 = arith.constant 128 : i32
        %dma_start3A_770 = tpu.memref_slice %arg5[%sub3A_752, %dma_start3A_769] : memref<128x200xi32, #tpu.memory_space<vmem>> -> memref<1x72xi32, #tpu.memory_space<vmem>>
        %dma_start3A_771 = tpu.memref_squeeze %dma_start3A_770 : memref<1x72xi32, #tpu.memory_space<vmem>> -> memref<72xi32, #tpu.memory_space<vmem>>
        %dma_start3A_772 = arith.constant 0 : i32
        %dma_start3A_773 = arith.constant 0 : i32
        %dma_start3A_774 = tpu.memref_slice %arg3[%dma_start3A_772, %dma_start3A_773] : memref<100000x128xf32, #tpu.memory_space<hbm>> -> memref<100000x128xf32, #tpu.memory_space<hbm>>
        tpu.enqueue_indirect_dma source(%dma_start3A_774 : memref<100000x128xf32, #tpu.memory_space<hbm>>) target(%dma_start3A_768 : memref<72x128xf32, #tpu.memory_space<vmem>>) offsets(%dma_start3A_771 : memref<72xi32, #tpu.memory_space<vmem>>) semaphore(%arg11 : memref<!tpu.dma_semaphore, #tpu.memory_space<semaphore_mem>>)
      } else {
      }
      %dma_wait3A_480 = arith.constant 1 : i32
      %dma_wait3A_481 = arith.constant 0 : i32
      %dma_wait3A_482 = arith.constant 0 : i32
      %dma_wait3A_483 = tpu.memref_slice %arg6[%dma_wait3A_480, %dma_wait3A_481, %dma_wait3A_482] : memref<3x200x128xf32, #tpu.memory_space<vmem>> -> memref<1x128x128xf32, #tpu.memory_space<vmem>>
      %dma_wait3A_484 = tpu.memref_squeeze %dma_wait3A_483 : memref<1x128x128xf32, #tpu.memory_space<vmem>> -> memref<128x128xf32, #tpu.memory_space<vmem>>
      %dma_wait3A_485 = arith.constant 0 : i32
      %dma_wait3A_486 = tpu.memref_slice %arg5[%add3A_474, %dma_wait3A_485] : memref<128x200xi32, #tpu.memory_space<vmem>> -> memref<1x128xi32, #tpu.memory_space<vmem>>
      %dma_wait3A_487 = tpu.memref_squeeze %dma_wait3A_486 : memref<1x128xi32, #tpu.memory_space<vmem>> -> memref<128xi32, #tpu.memory_space<vmem>>
      %dma_wait3A_488 = arith.constant 0 : i32
      %dma_wait3A_489 = arith.constant 0 : i32
      %dma_wait3A_490 = tpu.memref_slice %arg3[%dma_wait3A_488, %dma_wait3A_489] : memref<100000x128xf32, #tpu.memory_space<hbm>> -> memref<100000x128xf32, #tpu.memory_space<hbm>>
      tpu.wait_indirect_dma semaphore(%arg9 : memref<!tpu.dma_semaphore, #tpu.memory_space<semaphore_mem>>) src(%dma_wait3A_490 : memref<100000x128xf32, #tpu.memory_space<hbm>>) dst(%dma_wait3A_484 : memref<128x128xf32, #tpu.memory_space<vmem>>)
      %get3A_491 = arith.constant 1 : i32
      %get3A_492 = arith.constant 0 : i32
      %get3A_493 = arith.index_cast %get3A_491 : i32 to index
      %get3A_494 = arith.index_cast %get3A_492 : i32 to index
      %get3A_495 = arith.constant 0 : index
      %get3A_496 = tpu.vector_load %arg6[%get3A_493, %get3A_494, %get3A_495] {strides = array<i32>} : memref<3x200x128xf32, #tpu.memory_space<vmem>>, vector<1x1x16xf32>,
      %get3A_497 = vector.shape_cast %get3A_496 : vector<1x1x16xf32> to vector<16xf32>
      %get3A_498 = arith.constant 1 : i32
      %get3A_499 = arith.constant 0 : i32
      %get3A_500 = arith.index_cast %get3A_498 : i32 to index
      %get3A_501 = arith.index_cast %get3A_499 : i32 to index
      %get3A_502 = arith.constant 16 : index
      %get3A_503 = tpu.vector_load %arg6[%get3A_500, %get3A_501, %get3A_502] {strides = array<i32>} : memref<3x200x128xf32, #tpu.memory_space<vmem>>, vector<1x1x16xf32>,
      %get3A_504 = vector.shape_cast %get3A_503 : vector<1x1x16xf32> to vector<16xf32>
      %get3A_505 = arith.constant 1 : i32
      %get3A_506 = arith.constant 0 : i32
      %get3A_507 = arith.index_cast %get3A_505 : i32 to index
      %get3A_508 = arith.index_cast %get3A_506 : i32 to index
      %get3A_509 = arith.constant 32 : index
      %get3A_510 = tpu.vector_load %arg6[%get3A_507, %get3A_508, %get3A_509] {strides = array<i32>} : memref<3x200x128xf32, #tpu.memory_space<vmem>>, vector<1x1x16xf32>,
      %get3A_511 = vector.shape_cast %get3A_510 : vector<1x1x16xf32> to vector<16xf32>
      %get3A_512 = arith.constant 1 : i32
      %get3A_513 = arith.constant 0 : i32
      %get3A_514 = arith.index_cast %get3A_512 : i32 to index
      %get3A_515 = arith.index_cast %get3A_513 : i32 to index
      %get3A_516 = arith.constant 48 : index
      %get3A_517 = tpu.vector_load %arg6[%get3A_514, %get3A_515, %get3A_516] {strides = array<i32>} : memref<3x200x128xf32, #tpu.memory_space<vmem>>, vector<1x1x16xf32>,
      %get3A_518 = vector.shape_cast %get3A_517 : vector<1x1x16xf32> to vector<16xf32>
      %get3A_519 = arith.constant 1 : i32
      %get3A_520 = arith.constant 0 : i32
      %get3A_521 = arith.index_cast %get3A_519 : i32 to index
      %get3A_522 = arith.index_cast %get3A_520 : i32 to index
      %get3A_523 = arith.constant 64 : index
      %get3A_524 = tpu.vector_load %arg6[%get3A_521, %get3A_522, %get3A_523] {strides = array<i32>} : memref<3x200x128xf32, #tpu.memory_space<vmem>>, vector<1x1x16xf32>,
      %get3A_525 = vector.shape_cast %get3A_524 : vector<1x1x16xf32> to vector<16xf32>
      %get3A_526 = arith.constant 1 : i32
      %get3A_527 = arith.constant 0 : i32
      %get3A_528 = arith.index_cast %get3A_526 : i32 to index
      %get3A_529 = arith.index_cast %get3A_527 : i32 to index
      %get3A_530 = arith.constant 80 : index
      %get3A_531 = tpu.vector_load %arg6[%get3A_528, %get3A_529, %get3A_530] {strides = array<i32>} : memref<3x200x128xf32, #tpu.memory_space<vmem>>, vector<1x1x16xf32>,
      %get3A_532 = vector.shape_cast %get3A_531 : vector<1x1x16xf32> to vector<16xf32>
      %get3A_533 = arith.constant 1 : i32
      %get3A_534 = arith.constant 0 : i32
      %get3A_535 = arith.index_cast %get3A_533 : i32 to index
      %get3A_536 = arith.index_cast %get3A_534 : i32 to index
      %get3A_537 = arith.constant 96 : index
      %get3A_538 = tpu.vector_load %arg6[%get3A_535, %get3A_536, %get3A_537] {strides = array<i32>} : memref<3x200x128xf32, #tpu.memory_space<vmem>>, vector<1x1x16xf32>,
      %get3A_539 = vector.shape_cast %get3A_538 : vector<1x1x16xf32> to vector<16xf32>
      %get3A_540 = arith.constant 1 : i32
      %get3A_541 = arith.constant 0 : i32
      %get3A_542 = arith.index_cast %get3A_540 : i32 to index
      %get3A_543 = arith.index_cast %get3A_541 : i32 to index
      %get3A_544 = arith.constant 112 : index
      %get3A_545 = tpu.vector_load %arg6[%get3A_542, %get3A_543, %get3A_544] {strides = array<i32>} : memref<3x200x128xf32, #tpu.memory_space<vmem>>, vector<1x1x16xf32>,
      %get3A_546 = vector.shape_cast %get3A_545 : vector<1x1x16xf32> to vector<16xf32>
      %scan3A_547 = arith.constant 1 : i32
      %scan3A_548 = arith.constant 127 : i32
      %scan3A_549 = arith.addi %scan3A_547, %scan3A_548 : i32
      %scan3A_550 = arith.constant 1 : i32
      %scan3A_551:8 = scf.for %scan3A_750 = %scan3A_547 to %scan3A_549 step %scan3A_550 iter_args(%scan3A_751 = %get3A_497, %scan3A_752 = %get3A_504, %scan3A_753 = %get3A_511, %scan3A_754 = %get3A_518, %scan3A_755 = %get3A_525, %scan3A_756 = %get3A_532, %scan3A_757 = %get3A_539, %scan3A_758 = %get3A_546) -> (vector<16xf32>, vector<16xf32>, vector<16xf32>, vector<16xf32>, vector<16xf32>, vector<16xf32>, vector<16xf32>, vector<16xf32>)  : i32 {
        %get3A_759 = arith.constant 1 : i32
        %get3A_760 = arith.index_cast %get3A_759 : i32 to index
        %get3A_761 = arith.index_cast %scan3A_750 : i32 to index
        %get3A_762 = arith.constant 0 : index
        %get3A_763 = tpu.vector_load %arg6[%get3A_760, %get3A_761, %get3A_762] {strides = array<i32>} : memref<3x200x128xf32, #tpu.memory_space<vmem>>, vector<1x1x16xf32>,
        %get3A_764 = vector.shape_cast %get3A_763 : vector<1x1x16xf32> to vector<16xf32>
        %max3A = arith.maximumf %scan3A_751, %get3A_764 : vector<16xf32>
        %get3A_765 = arith.constant 1 : i32
        %get3A_766 = arith.index_cast %get3A_765 : i32 to index
        %get3A_767 = arith.index_cast %scan3A_750 : i32 to index
        %get3A_768 = arith.constant 16 : index
        %get3A_769 = tpu.vector_load %arg6[%get3A_766, %get3A_767, %get3A_768] {strides = array<i32>} : memref<3x200x128xf32, #tpu.memory_space<vmem>>, vector<1x1x16xf32>,
        %get3A_770 = vector.shape_cast %get3A_769 : vector<1x1x16xf32> to vector<16xf32>
        %max3A_771 = arith.maximumf %scan3A_752, %get3A_770 : vector<16xf32>
        %get3A_772 = arith.constant 1 : i32
        %get3A_773 = arith.index_cast %get3A_772 : i32 to index
        %get3A_774 = arith.index_cast %scan3A_750 : i32 to index
        %get3A_775 = arith.constant 32 : index
        %get3A_776 = tpu.vector_load %arg6[%get3A_773, %get3A_774, %get3A_775] {strides = array<i32>} : memref<3x200x128xf32, #tpu.memory_space<vmem>>, vector<1x1x16xf32>,
        %get3A_777 = vector.shape_cast %get3A_776 : vector<1x1x16xf32> to vector<16xf32>
        %max3A_778 = arith.maximumf %scan3A_753, %get3A_777 : vector<16xf32>
        %get3A_779 = arith.constant 1 : i32
        %get3A_780 = arith.index_cast %get3A_779 : i32 to index
        %get3A_781 = arith.index_cast %scan3A_750 : i32 to index
        %get3A_782 = arith.constant 48 : index
        %get3A_783 = tpu.vector_load %arg6[%get3A_780, %get3A_781, %get3A_782] {strides = array<i32>} : memref<3x200x128xf32, #tpu.memory_space<vmem>>, vector<1x1x16xf32>,
        %get3A_784 = vector.shape_cast %get3A_783 : vector<1x1x16xf32> to vector<16xf32>
        %max3A_785 = arith.maximumf %scan3A_754, %get3A_784 : vector<16xf32>
        %get3A_786 = arith.constant 1 : i32
        %get3A_787 = arith.index_cast %get3A_786 : i32 to index
        %get3A_788 = arith.index_cast %scan3A_750 : i32 to index
        %get3A_789 = arith.constant 64 : index
        %get3A_790 = tpu.vector_load %arg6[%get3A_787, %get3A_788, %get3A_789] {strides = array<i32>} : memref<3x200x128xf32, #tpu.memory_space<vmem>>, vector<1x1x16xf32>,
        %get3A_791 = vector.shape_cast %get3A_790 : vector<1x1x16xf32> to vector<16xf32>
        %max3A_792 = arith.maximumf %scan3A_755, %get3A_791 : vector<16xf32>
        %get3A_793 = arith.constant 1 : i32
        %get3A_794 = arith.index_cast %get3A_793 : i32 to index
        %get3A_795 = arith.index_cast %scan3A_750 : i32 to index
        %get3A_796 = arith.constant 80 : index
        %get3A_797 = tpu.vector_load %arg6[%get3A_794, %get3A_795, %get3A_796] {strides = array<i32>} : memref<3x200x128xf32, #tpu.memory_space<vmem>>, vector<1x1x16xf32>,
        %get3A_798 = vector.shape_cast %get3A_797 : vector<1x1x16xf32> to vector<16xf32>
        %max3A_799 = arith.maximumf %scan3A_756, %get3A_798 : vector<16xf32>
        %get3A_800 = arith.constant 1 : i32
        %get3A_801 = arith.index_cast %get3A_800 : i32 to index
        %get3A_802 = arith.index_cast %scan3A_750 : i32 to index
        %get3A_803 = arith.constant 96 : index
        %get3A_804 = tpu.vector_load %arg6[%get3A_801, %get3A_802, %get3A_803] {strides = array<i32>} : memref<3x200x128xf32, #tpu.memory_space<vmem>>, vector<1x1x16xf32>,
        %get3A_805 = vector.shape_cast %get3A_804 : vector<1x1x16xf32> to vector<16xf32>
        %max3A_806 = arith.maximumf %scan3A_757, %get3A_805 : vector<16xf32>
        %get3A_807 = arith.constant 1 : i32
        %get3A_808 = arith.index_cast %get3A_807 : i32 to index
        %get3A_809 = arith.index_cast %scan3A_750 : i32 to index
        %get3A_810 = arith.constant 112 : index
        %get3A_811 = tpu.vector_load %arg6[%get3A_808, %get3A_809, %get3A_810] {strides = array<i32>} : memref<3x200x128xf32, #tpu.memory_space<vmem>>, vector<1x1x16xf32>,
        %get3A_812 = vector.shape_cast %get3A_811 : vector<1x1x16xf32> to vector<16xf32>
        %max3A_813 = arith.maximumf %scan3A_758, %get3A_812 : vector<16xf32>
        scf.yield %max3A, %max3A_771, %max3A_778, %max3A_785, %max3A_792, %max3A_799, %max3A_806, %max3A_813 : vector<16xf32>, vector<16xf32>, vector<16xf32>, vector<16xf32>, vector<16xf32>, vector<16xf32>, vector<16xf32>, vector<16xf32>
      }
      %scan3A_552 = arith.constant 127 : i32
      %dma_wait3A_553 = arith.constant 1 : i32
      %dma_wait3A_554 = arith.constant 128 : i32
      %dma_wait3A_555 = arith.constant 0 : i32
      %dma_wait3A_556 = tpu.memref_slice %arg6[%dma_wait3A_553, %dma_wait3A_554, %dma_wait3A_555] : memref<3x200x128xf32, #tpu.memory_space<vmem>> -> memref<1x72x128xf32, #tpu.memory_space<vmem>>
      %dma_wait3A_557 = tpu.memref_squeeze %dma_wait3A_556 : memref<1x72x128xf32, #tpu.memory_space<vmem>> -> memref<72x128xf32, #tpu.memory_space<vmem>>
      %dma_wait3A_558 = arith.constant 128 : i32
      %dma_wait3A_559 = tpu.memref_slice %arg5[%add3A_474, %dma_wait3A_558] : memref<128x200xi32, #tpu.memory_space<vmem>> -> memref<1x72xi32, #tpu.memory_space<vmem>>
      %dma_wait3A_560 = tpu.memref_squeeze %dma_wait3A_559 : memref<1x72xi32, #tpu.memory_space<vmem>> -> memref<72xi32, #tpu.memory_space<vmem>>
      %dma_wait3A_561 = arith.constant 0 : i32
      %dma_wait3A_562 = arith.constant 0 : i32
      %dma_wait3A_563 = tpu.memref_slice %arg3[%dma_wait3A_561, %dma_wait3A_562] : memref<100000x128xf32, #tpu.memory_space<hbm>> -> memref<100000x128xf32, #tpu.memory_space<hbm>>
      tpu.wait_indirect_dma semaphore(%arg12 : memref<!tpu.dma_semaphore, #tpu.memory_space<semaphore_mem>>) src(%dma_wait3A_563 : memref<100000x128xf32, #tpu.memory_space<hbm>>) dst(%dma_wait3A_557 : memref<72x128xf32, #tpu.memory_space<vmem>>)
      %scan3A_564 = arith.constant 128 : i32
      %scan3A_565 = arith.constant 72 : i32
      %scan3A_566 = arith.addi %scan3A_564, %scan3A_565 : i32
      %scan3A_567 = arith.constant 1 : i32
      %scan3A_568:8 = scf.for %scan3A_750 = %scan3A_564 to %scan3A_566 step %scan3A_567 iter_args(%scan3A_751 = %scan3A_551#0, %scan3A_752 = %scan3A_551#1, %scan3A_753 = %scan3A_551#2, %scan3A_754 = %scan3A_551#3, %scan3A_755 = %scan3A_551#4, %scan3A_756 = %scan3A_551#5, %scan3A_757 = %scan3A_551#6, %scan3A_758 = %scan3A_551#7) -> (vector<16xf32>, vector<16xf32>, vector<16xf32>, vector<16xf32>, vector<16xf32>, vector<16xf32>, vector<16xf32>, vector<16xf32>)  : i32 {
        %get3A_759 = arith.constant 1 : i32
        %get3A_760 = arith.index_cast %get3A_759 : i32 to index
        %get3A_761 = arith.index_cast %scan3A_750 : i32 to index
        %get3A_762 = arith.constant 0 : index
        %get3A_763 = tpu.vector_load %arg6[%get3A_760, %get3A_761, %get3A_762] {strides = array<i32>} : memref<3x200x128xf32, #tpu.memory_space<vmem>>, vector<1x1x16xf32>,
        %get3A_764 = vector.shape_cast %get3A_763 : vector<1x1x16xf32> to vector<16xf32>
        %max3A = arith.maximumf %scan3A_751, %get3A_764 : vector<16xf32>
        %get3A_765 = arith.constant 1 : i32
        %get3A_766 = arith.index_cast %get3A_765 : i32 to index
        %get3A_767 = arith.index_cast %scan3A_750 : i32 to index
        %get3A_768 = arith.constant 16 : index
        %get3A_769 = tpu.vector_load %arg6[%get3A_766, %get3A_767, %get3A_768] {strides = array<i32>} : memref<3x200x128xf32, #tpu.memory_space<vmem>>, vector<1x1x16xf32>,
        %get3A_770 = vector.shape_cast %get3A_769 : vector<1x1x16xf32> to vector<16xf32>
        %max3A_771 = arith.maximumf %scan3A_752, %get3A_770 : vector<16xf32>
        %get3A_772 = arith.constant 1 : i32
        %get3A_773 = arith.index_cast %get3A_772 : i32 to index
        %get3A_774 = arith.index_cast %scan3A_750 : i32 to index
        %get3A_775 = arith.constant 32 : index
        %get3A_776 = tpu.vector_load %arg6[%get3A_773, %get3A_774, %get3A_775] {strides = array<i32>} : memref<3x200x128xf32, #tpu.memory_space<vmem>>, vector<1x1x16xf32>,
        %get3A_777 = vector.shape_cast %get3A_776 : vector<1x1x16xf32> to vector<16xf32>
        %max3A_778 = arith.maximumf %scan3A_753, %get3A_777 : vector<16xf32>
        %get3A_779 = arith.constant 1 : i32
        %get3A_780 = arith.index_cast %get3A_779 : i32 to index
        %get3A_781 = arith.index_cast %scan3A_750 : i32 to index
        %get3A_782 = arith.constant 48 : index
        %get3A_783 = tpu.vector_load %arg6[%get3A_780, %get3A_781, %get3A_782] {strides = array<i32>} : memref<3x200x128xf32, #tpu.memory_space<vmem>>, vector<1x1x16xf32>,
        %get3A_784 = vector.shape_cast %get3A_783 : vector<1x1x16xf32> to vector<16xf32>
        %max3A_785 = arith.maximumf %scan3A_754, %get3A_784 : vector<16xf32>
        %get3A_786 = arith.constant 1 : i32
        %get3A_787 = arith.index_cast %get3A_786 : i32 to index
        %get3A_788 = arith.index_cast %scan3A_750 : i32 to index
        %get3A_789 = arith.constant 64 : index
        %get3A_790 = tpu.vector_load %arg6[%get3A_787, %get3A_788, %get3A_789] {strides = array<i32>} : memref<3x200x128xf32, #tpu.memory_space<vmem>>, vector<1x1x16xf32>,
        %get3A_791 = vector.shape_cast %get3A_790 : vector<1x1x16xf32> to vector<16xf32>
        %max3A_792 = arith.maximumf %scan3A_755, %get3A_791 : vector<16xf32>
        %get3A_793 = arith.constant 1 : i32
        %get3A_794 = arith.index_cast %get3A_793 : i32 to index
        %get3A_795 = arith.index_cast %scan3A_750 : i32 to index
        %get3A_796 = arith.constant 80 : index
        %get3A_797 = tpu.vector_load %arg6[%get3A_794, %get3A_795, %get3A_796] {strides = array<i32>} : memref<3x200x128xf32, #tpu.memory_space<vmem>>, vector<1x1x16xf32>,
        %get3A_798 = vector.shape_cast %get3A_797 : vector<1x1x16xf32> to vector<16xf32>
        %max3A_799 = arith.maximumf %scan3A_756, %get3A_798 : vector<16xf32>
        %get3A_800 = arith.constant 1 : i32
        %get3A_801 = arith.index_cast %get3A_800 : i32 to index
        %get3A_802 = arith.index_cast %scan3A_750 : i32 to index
        %get3A_803 = arith.constant 96 : index
        %get3A_804 = tpu.vector_load %arg6[%get3A_801, %get3A_802, %get3A_803] {strides = array<i32>} : memref<3x200x128xf32, #tpu.memory_space<vmem>>, vector<1x1x16xf32>,
        %get3A_805 = vector.shape_cast %get3A_804 : vector<1x1x16xf32> to vector<16xf32>
        %max3A_806 = arith.maximumf %scan3A_757, %get3A_805 : vector<16xf32>
        %get3A_807 = arith.constant 1 : i32
        %get3A_808 = arith.index_cast %get3A_807 : i32 to index
        %get3A_809 = arith.index_cast %scan3A_750 : i32 to index
        %get3A_810 = arith.constant 112 : index
        %get3A_811 = tpu.vector_load %arg6[%get3A_808, %get3A_809, %get3A_810] {strides = array<i32>} : memref<3x200x128xf32, #tpu.memory_space<vmem>>, vector<1x1x16xf32>,
        %get3A_812 = vector.shape_cast %get3A_811 : vector<1x1x16xf32> to vector<16xf32>
        %max3A_813 = arith.maximumf %scan3A_758, %get3A_812 : vector<16xf32>
        scf.yield %max3A, %max3A_771, %max3A_778, %max3A_785, %max3A_792, %max3A_799, %max3A_806, %max3A_813 : vector<16xf32>, vector<16xf32>, vector<16xf32>, vector<16xf32>, vector<16xf32>, vector<16xf32>, vector<16xf32>, vector<16xf32>
      }
      %scan3A_569 = arith.constant 72 : i32
      %swap3A_570 = arith.index_cast %add3A_474 : i32 to index
      %swap3A_571 = arith.constant 0 : index
      %swap3A_572 = tpu.vector_load %arg7[%swap3A_570, %swap3A_571] {strides = array<i32>} : memref<128x128xf32, #tpu.memory_space<vmem>>, vector<1x16xf32>,
      %swap3A_573 = vector.shape_cast %swap3A_572 : vector<1x16xf32> to vector<16xf32>
      %swap3A_574 = vector.shape_cast %scan3A_568#0 : vector<16xf32> to vector<1x16xf32>
      tpu.vector_store %arg7[%swap3A_570, %swap3A_571], %swap3A_574 {strides = array<i32>} : memref<128x128xf32, #tpu.memory_space<vmem>>, vector<1x16xf32>,
      %swap3A_575 = arith.index_cast %add3A_474 : i32 to index
      %swap3A_576 = arith.constant 16 : index
      %swap3A_577 = tpu.vector_load %arg7[%swap3A_575, %swap3A_576] {strides = array<i32>} : memref<128x128xf32, #tpu.memory_space<vmem>>, vector<1x16xf32>,
      %swap3A_578 = vector.shape_cast %swap3A_577 : vector<1x16xf32> to vector<16xf32>
      %swap3A_579 = vector.shape_cast %scan3A_568#1 : vector<16xf32> to vector<1x16xf32>
      tpu.vector_store %arg7[%swap3A_575, %swap3A_576], %swap3A_579 {strides = array<i32>} : memref<128x128xf32, #tpu.memory_space<vmem>>, vector<1x16xf32>,
      %swap3A_580 = arith.index_cast %add3A_474 : i32 to index
      %swap3A_581 = arith.constant 32 : index
      %swap3A_582 = tpu.vector_load %arg7[%swap3A_580, %swap3A_581] {strides = array<i32>} : memref<128x128xf32, #tpu.memory_space<vmem>>, vector<1x16xf32>,
      %swap3A_583 = vector.shape_cast %swap3A_582 : vector<1x16xf32> to vector<16xf32>
      %swap3A_584 = vector.shape_cast %scan3A_568#2 : vector<16xf32> to vector<1x16xf32>
      tpu.vector_store %arg7[%swap3A_580, %swap3A_581], %swap3A_584 {strides = array<i32>} : memref<128x128xf32, #tpu.memory_space<vmem>>, vector<1x16xf32>,
      %swap3A_585 = arith.index_cast %add3A_474 : i32 to index
      %swap3A_586 = arith.constant 48 : index
      %swap3A_587 = tpu.vector_load %arg7[%swap3A_585, %swap3A_586] {strides = array<i32>} : memref<128x128xf32, #tpu.memory_space<vmem>>, vector<1x16xf32>,
      %swap3A_588 = vector.shape_cast %swap3A_587 : vector<1x16xf32> to vector<16xf32>
      %swap3A_589 = vector.shape_cast %scan3A_568#3 : vector<16xf32> to vector<1x16xf32>
      tpu.vector_store %arg7[%swap3A_585, %swap3A_586], %swap3A_589 {strides = array<i32>} : memref<128x128xf32, #tpu.memory_space<vmem>>, vector<1x16xf32>,
      %swap3A_590 = arith.index_cast %add3A_474 : i32 to index
      %swap3A_591 = arith.constant 64 : index
      %swap3A_592 = tpu.vector_load %arg7[%swap3A_590, %swap3A_591] {strides = array<i32>} : memref<128x128xf32, #tpu.memory_space<vmem>>, vector<1x16xf32>,
      %swap3A_593 = vector.shape_cast %swap3A_592 : vector<1x16xf32> to vector<16xf32>
      %swap3A_594 = vector.shape_cast %scan3A_568#4 : vector<16xf32> to vector<1x16xf32>
      tpu.vector_store %arg7[%swap3A_590, %swap3A_591], %swap3A_594 {strides = array<i32>} : memref<128x128xf32, #tpu.memory_space<vmem>>, vector<1x16xf32>,
      %swap3A_595 = arith.index_cast %add3A_474 : i32 to index
      %swap3A_596 = arith.constant 80 : index
      %swap3A_597 = tpu.vector_load %arg7[%swap3A_595, %swap3A_596] {strides = array<i32>} : memref<128x128xf32, #tpu.memory_space<vmem>>, vector<1x16xf32>,
      %swap3A_598 = vector.shape_cast %swap3A_597 : vector<1x16xf32> to vector<16xf32>
      %swap3A_599 = vector.shape_cast %scan3A_568#5 : vector<16xf32> to vector<1x16xf32>
      tpu.vector_store %arg7[%swap3A_595, %swap3A_596], %swap3A_599 {strides = array<i32>} : memref<128x128xf32, #tpu.memory_space<vmem>>, vector<1x16xf32>,
      %swap3A_600 = arith.index_cast %add3A_474 : i32 to index
      %swap3A_601 = arith.constant 96 : index
      %swap3A_602 = tpu.vector_load %arg7[%swap3A_600, %swap3A_601] {strides = array<i32>} : memref<128x128xf32, #tpu.memory_space<vmem>>, vector<1x16xf32>,
      %swap3A_603 = vector.shape_cast %swap3A_602 : vector<1x16xf32> to vector<16xf32>
      %swap3A_604 = vector.shape_cast %scan3A_568#6 : vector<16xf32> to vector<1x16xf32>
      tpu.vector_store %arg7[%swap3A_600, %swap3A_601], %swap3A_604 {strides = array<i32>} : memref<128x128xf32, #tpu.memory_space<vmem>>, vector<1x16xf32>,
      %swap3A_605 = arith.index_cast %add3A_474 : i32 to index
      %swap3A_606 = arith.constant 112 : index
      %swap3A_607 = tpu.vector_load %arg7[%swap3A_605, %swap3A_606] {strides = array<i32>} : memref<128x128xf32, #tpu.memory_space<vmem>>, vector<1x16xf32>,
      %swap3A_608 = vector.shape_cast %swap3A_607 : vector<1x16xf32> to vector<16xf32>
      %swap3A_609 = vector.shape_cast %scan3A_568#7 : vector<16xf32> to vector<1x16xf32>
      tpu.vector_store %arg7[%swap3A_605, %swap3A_606], %swap3A_609 {strides = array<i32>} : memref<128x128xf32, #tpu.memory_space<vmem>>, vector<1x16xf32>,
      %mul3A_610 = arith.constant 3 : i32
      %mul3A_611 = arith.muli %mul3A_610, %scan3A_333 : i32
      %add3A_612 = arith.constant 2 : i32
      %add3A_613 = arith.addi %mul3A_611, %add3A_612 : i32
      %lt3A_614 = arith.constant 126 : i32
      %lt3A_615 = arith.cmpi slt, %add3A_613, %lt3A_614 : i32
      %convert_element_type3A_616 = arith.extui %lt3A_615 : i1 to i32
      %cond3A_617 = arith.constant 0 : i32
      %cond3A_618 = arith.cmpi ne, %convert_element_type3A_616, %cond3A_617 : i32
      scf.if %cond3A_618 {
        %add3A_750 = arith.constant 3 : i32
        %add3A_751 = arith.addi %add3A_613, %add3A_750 : i32
        %sub3A = arith.constant 1 : i32
        %sub3A_752 = arith.subi %add3A_751, %sub3A : i32
        %dma_start3A_753 = arith.constant 1 : i32
        %dma_start3A_754 = arith.constant 0 : i32
        %dma_start3A_755 = arith.constant 0 : i32
        %dma_start3A_756 = tpu.memref_slice %arg6[%dma_start3A_753, %dma_start3A_754, %dma_start3A_755] : memref<3x200x128xf32, #tpu.memory_space<vmem>> -> memref<1x128x128xf32, #tpu.memory_space<vmem>>
        %dma_start3A_757 = tpu.memref_squeeze %dma_start3A_756 : memref<1x128x128xf32, #tpu.memory_space<vmem>> -> memref<128x128xf32, #tpu.memory_space<vmem>>
        %dma_start3A_758 = arith.constant 0 : i32
        %dma_start3A_759 = tpu.memref_slice %arg5[%sub3A_752, %dma_start3A_758] : memref<128x200xi32, #tpu.memory_space<vmem>> -> memref<1x128xi32, #tpu.memory_space<vmem>>
        %dma_start3A_760 = tpu.memref_squeeze %dma_start3A_759 : memref<1x128xi32, #tpu.memory_space<vmem>> -> memref<128xi32, #tpu.memory_space<vmem>>
        %dma_start3A_761 = arith.constant 0 : i32
        %dma_start3A_762 = arith.constant 0 : i32
        %dma_start3A_763 = tpu.memref_slice %arg3[%dma_start3A_761, %dma_start3A_762] : memref<100000x128xf32, #tpu.memory_space<hbm>> -> memref<100000x128xf32, #tpu.memory_space<hbm>>
        tpu.enqueue_indirect_dma source(%dma_start3A_763 : memref<100000x128xf32, #tpu.memory_space<hbm>>) target(%dma_start3A_757 : memref<128x128xf32, #tpu.memory_space<vmem>>) offsets(%dma_start3A_760 : memref<128xi32, #tpu.memory_space<vmem>>) semaphore(%arg9 : memref<!tpu.dma_semaphore, #tpu.memory_space<semaphore_mem>>)
        %dma_start3A_764 = arith.constant 1 : i32
        %dma_start3A_765 = arith.constant 128 : i32
        %dma_start3A_766 = arith.constant 0 : i32
        %dma_start3A_767 = tpu.memref_slice %arg6[%dma_start3A_764, %dma_start3A_765, %dma_start3A_766] : memref<3x200x128xf32, #tpu.memory_space<vmem>> -> memref<1x72x128xf32, #tpu.memory_space<vmem>>
        %dma_start3A_768 = tpu.memref_squeeze %dma_start3A_767 : memref<1x72x128xf32, #tpu.memory_space<vmem>> -> memref<72x128xf32, #tpu.memory_space<vmem>>
        %dma_start3A_769 = arith.constant 128 : i32
        %dma_start3A_770 = tpu.memref_slice %arg5[%sub3A_752, %dma_start3A_769] : memref<128x200xi32, #tpu.memory_space<vmem>> -> memref<1x72xi32, #tpu.memory_space<vmem>>
        %dma_start3A_771 = tpu.memref_squeeze %dma_start3A_770 : memref<1x72xi32, #tpu.memory_space<vmem>> -> memref<72xi32, #tpu.memory_space<vmem>>
        %dma_start3A_772 = arith.constant 0 : i32
        %dma_start3A_773 = arith.constant 0 : i32
        %dma_start3A_774 = tpu.memref_slice %arg3[%dma_start3A_772, %dma_start3A_773] : memref<100000x128xf32, #tpu.memory_space<hbm>> -> memref<100000x128xf32, #tpu.memory_space<hbm>>
        tpu.enqueue_indirect_dma source(%dma_start3A_774 : memref<100000x128xf32, #tpu.memory_space<hbm>>) target(%dma_start3A_768 : memref<72x128xf32, #tpu.memory_space<vmem>>) offsets(%dma_start3A_771 : memref<72xi32, #tpu.memory_space<vmem>>) semaphore(%arg12 : memref<!tpu.dma_semaphore, #tpu.memory_space<semaphore_mem>>)
      } else {
      }
      %dma_wait3A_619 = arith.constant 2 : i32
      %dma_wait3A_620 = arith.constant 0 : i32
      %dma_wait3A_621 = arith.constant 0 : i32
      %dma_wait3A_622 = tpu.memref_slice %arg6[%dma_wait3A_619, %dma_wait3A_620, %dma_wait3A_621] : memref<3x200x128xf32, #tpu.memory_space<vmem>> -> memref<1x128x128xf32, #tpu.memory_space<vmem>>
      %dma_wait3A_623 = tpu.memref_squeeze %dma_wait3A_622 : memref<1x128x128xf32, #tpu.memory_space<vmem>> -> memref<128x128xf32, #tpu.memory_space<vmem>>
      %dma_wait3A_624 = arith.constant 0 : i32
      %dma_wait3A_625 = tpu.memref_slice %arg5[%add3A_613, %dma_wait3A_624] : memref<128x200xi32, #tpu.memory_space<vmem>> -> memref<1x128xi32, #tpu.memory_space<vmem>>
      %dma_wait3A_626 = tpu.memref_squeeze %dma_wait3A_625 : memref<1x128xi32, #tpu.memory_space<vmem>> -> memref<128xi32, #tpu.memory_space<vmem>>
      %dma_wait3A_627 = arith.constant 0 : i32
      %dma_wait3A_628 = arith.constant 0 : i32
      %dma_wait3A_629 = tpu.memref_slice %arg3[%dma_wait3A_627, %dma_wait3A_628] : memref<100000x128xf32, #tpu.memory_space<hbm>> -> memref<100000x128xf32, #tpu.memory_space<hbm>>
      tpu.wait_indirect_dma semaphore(%arg10 : memref<!tpu.dma_semaphore, #tpu.memory_space<semaphore_mem>>) src(%dma_wait3A_629 : memref<100000x128xf32, #tpu.memory_space<hbm>>) dst(%dma_wait3A_623 : memref<128x128xf32, #tpu.memory_space<vmem>>)
      %get3A_630 = arith.constant 2 : i32
      %get3A_631 = arith.constant 0 : i32
      %get3A_632 = arith.index_cast %get3A_630 : i32 to index
      %get3A_633 = arith.index_cast %get3A_631 : i32 to index
      %get3A_634 = arith.constant 0 : index
      %get3A_635 = tpu.vector_load %arg6[%get3A_632, %get3A_633, %get3A_634] {strides = array<i32>} : memref<3x200x128xf32, #tpu.memory_space<vmem>>, vector<1x1x16xf32>,
      %get3A_636 = vector.shape_cast %get3A_635 : vector<1x1x16xf32> to vector<16xf32>
      %get3A_637 = arith.constant 2 : i32
      %get3A_638 = arith.constant 0 : i32
      %get3A_639 = arith.index_cast %get3A_637 : i32 to index
      %get3A_640 = arith.index_cast %get3A_638 : i32 to index
      %get3A_641 = arith.constant 16 : index
      %get3A_642 = tpu.vector_load %arg6[%get3A_639, %get3A_640, %get3A_641] {strides = array<i32>} : memref<3x200x128xf32, #tpu.memory_space<vmem>>, vector<1x1x16xf32>,
      %get3A_643 = vector.shape_cast %get3A_642 : vector<1x1x16xf32> to vector<16xf32>
      %get3A_644 = arith.constant 2 : i32
      %get3A_645 = arith.constant 0 : i32
      %get3A_646 = arith.index_cast %get3A_644 : i32 to index
      %get3A_647 = arith.index_cast %get3A_645 : i32 to index
      %get3A_648 = arith.constant 32 : index
      %get3A_649 = tpu.vector_load %arg6[%get3A_646, %get3A_647, %get3A_648] {strides = array<i32>} : memref<3x200x128xf32, #tpu.memory_space<vmem>>, vector<1x1x16xf32>,
      %get3A_650 = vector.shape_cast %get3A_649 : vector<1x1x16xf32> to vector<16xf32>
      %get3A_651 = arith.constant 2 : i32
      %get3A_652 = arith.constant 0 : i32
      %get3A_653 = arith.index_cast %get3A_651 : i32 to index
      %get3A_654 = arith.index_cast %get3A_652 : i32 to index
      %get3A_655 = arith.constant 48 : index
      %get3A_656 = tpu.vector_load %arg6[%get3A_653, %get3A_654, %get3A_655] {strides = array<i32>} : memref<3x200x128xf32, #tpu.memory_space<vmem>>, vector<1x1x16xf32>,
      %get3A_657 = vector.shape_cast %get3A_656 : vector<1x1x16xf32> to vector<16xf32>
      %get3A_658 = arith.constant 2 : i32
      %get3A_659 = arith.constant 0 : i32
      %get3A_660 = arith.index_cast %get3A_658 : i32 to index
      %get3A_661 = arith.index_cast %get3A_659 : i32 to index
      %get3A_662 = arith.constant 64 : index
      %get3A_663 = tpu.vector_load %arg6[%get3A_660, %get3A_661, %get3A_662] {strides = array<i32>} : memref<3x200x128xf32, #tpu.memory_space<vmem>>, vector<1x1x16xf32>,
      %get3A_664 = vector.shape_cast %get3A_663 : vector<1x1x16xf32> to vector<16xf32>
      %get3A_665 = arith.constant 2 : i32
      %get3A_666 = arith.constant 0 : i32
      %get3A_667 = arith.index_cast %get3A_665 : i32 to index
      %get3A_668 = arith.index_cast %get3A_666 : i32 to index
      %get3A_669 = arith.constant 80 : index
      %get3A_670 = tpu.vector_load %arg6[%get3A_667, %get3A_668, %get3A_669] {strides = array<i32>} : memref<3x200x128xf32, #tpu.memory_space<vmem>>, vector<1x1x16xf32>,
      %get3A_671 = vector.shape_cast %get3A_670 : vector<1x1x16xf32> to vector<16xf32>
      %get3A_672 = arith.constant 2 : i32
      %get3A_673 = arith.constant 0 : i32
      %get3A_674 = arith.index_cast %get3A_672 : i32 to index
      %get3A_675 = arith.index_cast %get3A_673 : i32 to index
      %get3A_676 = arith.constant 96 : index
      %get3A_677 = tpu.vector_load %arg6[%get3A_674, %get3A_675, %get3A_676] {strides = array<i32>} : memref<3x200x128xf32, #tpu.memory_space<vmem>>, vector<1x1x16xf32>,
      %get3A_678 = vector.shape_cast %get3A_677 : vector<1x1x16xf32> to vector<16xf32>
      %get3A_679 = arith.constant 2 : i32
      %get3A_680 = arith.constant 0 : i32
      %get3A_681 = arith.index_cast %get3A_679 : i32 to index
      %get3A_682 = arith.index_cast %get3A_680 : i32 to index
      %get3A_683 = arith.constant 112 : index
      %get3A_684 = tpu.vector_load %arg6[%get3A_681, %get3A_682, %get3A_683] {strides = array<i32>} : memref<3x200x128xf32, #tpu.memory_space<vmem>>, vector<1x1x16xf32>,
      %get3A_685 = vector.shape_cast %get3A_684 : vector<1x1x16xf32> to vector<16xf32>
      %scan3A_686 = arith.constant 1 : i32
      %scan3A_687 = arith.constant 127 : i32
      %scan3A_688 = arith.addi %scan3A_686, %scan3A_687 : i32
      %scan3A_689 = arith.constant 1 : i32
      %scan3A_690:8 = scf.for %scan3A_750 = %scan3A_686 to %scan3A_688 step %scan3A_689 iter_args(%scan3A_751 = %get3A_636, %scan3A_752 = %get3A_643, %scan3A_753 = %get3A_650, %scan3A_754 = %get3A_657, %scan3A_755 = %get3A_664, %scan3A_756 = %get3A_671, %scan3A_757 = %get3A_678, %scan3A_758 = %get3A_685) -> (vector<16xf32>, vector<16xf32>, vector<16xf32>, vector<16xf32>, vector<16xf32>, vector<16xf32>, vector<16xf32>, vector<16xf32>)  : i32 {
        %get3A_759 = arith.constant 2 : i32
        %get3A_760 = arith.index_cast %get3A_759 : i32 to index
        %get3A_761 = arith.index_cast %scan3A_750 : i32 to index
        %get3A_762 = arith.constant 0 : index
        %get3A_763 = tpu.vector_load %arg6[%get3A_760, %get3A_761, %get3A_762] {strides = array<i32>} : memref<3x200x128xf32, #tpu.memory_space<vmem>>, vector<1x1x16xf32>,
        %get3A_764 = vector.shape_cast %get3A_763 : vector<1x1x16xf32> to vector<16xf32>
        %max3A = arith.maximumf %scan3A_751, %get3A_764 : vector<16xf32>
        %get3A_765 = arith.constant 2 : i32
        %get3A_766 = arith.index_cast %get3A_765 : i32 to index
        %get3A_767 = arith.index_cast %scan3A_750 : i32 to index
        %get3A_768 = arith.constant 16 : index
        %get3A_769 = tpu.vector_load %arg6[%get3A_766, %get3A_767, %get3A_768] {strides = array<i32>} : memref<3x200x128xf32, #tpu.memory_space<vmem>>, vector<1x1x16xf32>,
        %get3A_770 = vector.shape_cast %get3A_769 : vector<1x1x16xf32> to vector<16xf32>
        %max3A_771 = arith.maximumf %scan3A_752, %get3A_770 : vector<16xf32>
        %get3A_772 = arith.constant 2 : i32
        %get3A_773 = arith.index_cast %get3A_772 : i32 to index
        %get3A_774 = arith.index_cast %scan3A_750 : i32 to index
        %get3A_775 = arith.constant 32 : index
        %get3A_776 = tpu.vector_load %arg6[%get3A_773, %get3A_774, %get3A_775] {strides = array<i32>} : memref<3x200x128xf32, #tpu.memory_space<vmem>>, vector<1x1x16xf32>,
        %get3A_777 = vector.shape_cast %get3A_776 : vector<1x1x16xf32> to vector<16xf32>
        %max3A_778 = arith.maximumf %scan3A_753, %get3A_777 : vector<16xf32>
        %get3A_779 = arith.constant 2 : i32
        %get3A_780 = arith.index_cast %get3A_779 : i32 to index
        %get3A_781 = arith.index_cast %scan3A_750 : i32 to index
        %get3A_782 = arith.constant 48 : index
        %get3A_783 = tpu.vector_load %arg6[%get3A_780, %get3A_781, %get3A_782] {strides = array<i32>} : memref<3x200x128xf32, #tpu.memory_space<vmem>>, vector<1x1x16xf32>,
        %get3A_784 = vector.shape_cast %get3A_783 : vector<1x1x16xf32> to vector<16xf32>
        %max3A_785 = arith.maximumf %scan3A_754, %get3A_784 : vector<16xf32>
        %get3A_786 = arith.constant 2 : i32
        %get3A_787 = arith.index_cast %get3A_786 : i32 to index
        %get3A_788 = arith.index_cast %scan3A_750 : i32 to index
        %get3A_789 = arith.constant 64 : index
        %get3A_790 = tpu.vector_load %arg6[%get3A_787, %get3A_788, %get3A_789] {strides = array<i32>} : memref<3x200x128xf32, #tpu.memory_space<vmem>>, vector<1x1x16xf32>,
        %get3A_791 = vector.shape_cast %get3A_790 : vector<1x1x16xf32> to vector<16xf32>
        %max3A_792 = arith.maximumf %scan3A_755, %get3A_791 : vector<16xf32>
        %get3A_793 = arith.constant 2 : i32
        %get3A_794 = arith.index_cast %get3A_793 : i32 to index
        %get3A_795 = arith.index_cast %scan3A_750 : i32 to index
        %get3A_796 = arith.constant 80 : index
        %get3A_797 = tpu.vector_load %arg6[%get3A_794, %get3A_795, %get3A_796] {strides = array<i32>} : memref<3x200x128xf32, #tpu.memory_space<vmem>>, vector<1x1x16xf32>,
        %get3A_798 = vector.shape_cast %get3A_797 : vector<1x1x16xf32> to vector<16xf32>
        %max3A_799 = arith.maximumf %scan3A_756, %get3A_798 : vector<16xf32>
        %get3A_800 = arith.constant 2 : i32
        %get3A_801 = arith.index_cast %get3A_800 : i32 to index
        %get3A_802 = arith.index_cast %scan3A_750 : i32 to index
        %get3A_803 = arith.constant 96 : index
        %get3A_804 = tpu.vector_load %arg6[%get3A_801, %get3A_802, %get3A_803] {strides = array<i32>} : memref<3x200x128xf32, #tpu.memory_space<vmem>>, vector<1x1x16xf32>,
        %get3A_805 = vector.shape_cast %get3A_804 : vector<1x1x16xf32> to vector<16xf32>
        %max3A_806 = arith.maximumf %scan3A_757, %get3A_805 : vector<16xf32>
        %get3A_807 = arith.constant 2 : i32
        %get3A_808 = arith.index_cast %get3A_807 : i32 to index
        %get3A_809 = arith.index_cast %scan3A_750 : i32 to index
        %get3A_810 = arith.constant 112 : index
        %get3A_811 = tpu.vector_load %arg6[%get3A_808, %get3A_809, %get3A_810] {strides = array<i32>} : memref<3x200x128xf32, #tpu.memory_space<vmem>>, vector<1x1x16xf32>,
        %get3A_812 = vector.shape_cast %get3A_811 : vector<1x1x16xf32> to vector<16xf32>
        %max3A_813 = arith.maximumf %scan3A_758, %get3A_812 : vector<16xf32>
        scf.yield %max3A, %max3A_771, %max3A_778, %max3A_785, %max3A_792, %max3A_799, %max3A_806, %max3A_813 : vector<16xf32>, vector<16xf32>, vector<16xf32>, vector<16xf32>, vector<16xf32>, vector<16xf32>, vector<16xf32>, vector<16xf32>
      }
      %scan3A_691 = arith.constant 127 : i32
      %dma_wait3A_692 = arith.constant 2 : i32
      %dma_wait3A_693 = arith.constant 128 : i32
      %dma_wait3A_694 = arith.constant 0 : i32
      %dma_wait3A_695 = tpu.memref_slice %arg6[%dma_wait3A_692, %dma_wait3A_693, %dma_wait3A_694] : memref<3x200x128xf32, #tpu.memory_space<vmem>> -> memref<1x72x128xf32, #tpu.memory_space<vmem>>
      %dma_wait3A_696 = tpu.memref_squeeze %dma_wait3A_695 : memref<1x72x128xf32, #tpu.memory_space<vmem>> -> memref<72x128xf32, #tpu.memory_space<vmem>>
      %dma_wait3A_697 = arith.constant 128 : i32
      %dma_wait3A_698 = tpu.memref_slice %arg5[%add3A_613, %dma_wait3A_697] : memref<128x200xi32, #tpu.memory_space<vmem>> -> memref<1x72xi32, #tpu.memory_space<vmem>>
      %dma_wait3A_699 = tpu.memref_squeeze %dma_wait3A_698 : memref<1x72xi32, #tpu.memory_space<vmem>> -> memref<72xi32, #tpu.memory_space<vmem>>
      %dma_wait3A_700 = arith.constant 0 : i32
      %dma_wait3A_701 = arith.constant 0 : i32
      %dma_wait3A_702 = tpu.memref_slice %arg3[%dma_wait3A_700, %dma_wait3A_701] : memref<100000x128xf32, #tpu.memory_space<hbm>> -> memref<100000x128xf32, #tpu.memory_space<hbm>>
      tpu.wait_indirect_dma semaphore(%arg13 : memref<!tpu.dma_semaphore, #tpu.memory_space<semaphore_mem>>) src(%dma_wait3A_702 : memref<100000x128xf32, #tpu.memory_space<hbm>>) dst(%dma_wait3A_696 : memref<72x128xf32, #tpu.memory_space<vmem>>)
      %scan3A_703 = arith.constant 128 : i32
      %scan3A_704 = arith.constant 72 : i32
      %scan3A_705 = arith.addi %scan3A_703, %scan3A_704 : i32
      %scan3A_706 = arith.constant 1 : i32
      %scan3A_707:8 = scf.for %scan3A_750 = %scan3A_703 to %scan3A_705 step %scan3A_706 iter_args(%scan3A_751 = %scan3A_690#0, %scan3A_752 = %scan3A_690#1, %scan3A_753 = %scan3A_690#2, %scan3A_754 = %scan3A_690#3, %scan3A_755 = %scan3A_690#4, %scan3A_756 = %scan3A_690#5, %scan3A_757 = %scan3A_690#6, %scan3A_758 = %scan3A_690#7) -> (vector<16xf32>, vector<16xf32>, vector<16xf32>, vector<16xf32>, vector<16xf32>, vector<16xf32>, vector<16xf32>, vector<16xf32>)  : i32 {
        %get3A_759 = arith.constant 2 : i32
        %get3A_760 = arith.index_cast %get3A_759 : i32 to index
        %get3A_761 = arith.index_cast %scan3A_750 : i32 to index
        %get3A_762 = arith.constant 0 : index
        %get3A_763 = tpu.vector_load %arg6[%get3A_760, %get3A_761, %get3A_762] {strides = array<i32>} : memref<3x200x128xf32, #tpu.memory_space<vmem>>, vector<1x1x16xf32>,
        %get3A_764 = vector.shape_cast %get3A_763 : vector<1x1x16xf32> to vector<16xf32>
        %max3A = arith.maximumf %scan3A_751, %get3A_764 : vector<16xf32>
        %get3A_765 = arith.constant 2 : i32
        %get3A_766 = arith.index_cast %get3A_765 : i32 to index
        %get3A_767 = arith.index_cast %scan3A_750 : i32 to index
        %get3A_768 = arith.constant 16 : index
        %get3A_769 = tpu.vector_load %arg6[%get3A_766, %get3A_767, %get3A_768] {strides = array<i32>} : memref<3x200x128xf32, #tpu.memory_space<vmem>>, vector<1x1x16xf32>,
        %get3A_770 = vector.shape_cast %get3A_769 : vector<1x1x16xf32> to vector<16xf32>
        %max3A_771 = arith.maximumf %scan3A_752, %get3A_770 : vector<16xf32>
        %get3A_772 = arith.constant 2 : i32
        %get3A_773 = arith.index_cast %get3A_772 : i32 to index
        %get3A_774 = arith.index_cast %scan3A_750 : i32 to index
        %get3A_775 = arith.constant 32 : index
        %get3A_776 = tpu.vector_load %arg6[%get3A_773, %get3A_774, %get3A_775] {strides = array<i32>} : memref<3x200x128xf32, #tpu.memory_space<vmem>>, vector<1x1x16xf32>,
        %get3A_777 = vector.shape_cast %get3A_776 : vector<1x1x16xf32> to vector<16xf32>
        %max3A_778 = arith.maximumf %scan3A_753, %get3A_777 : vector<16xf32>
        %get3A_779 = arith.constant 2 : i32
        %get3A_780 = arith.index_cast %get3A_779 : i32 to index
        %get3A_781 = arith.index_cast %scan3A_750 : i32 to index
        %get3A_782 = arith.constant 48 : index
        %get3A_783 = tpu.vector_load %arg6[%get3A_780, %get3A_781, %get3A_782] {strides = array<i32>} : memref<3x200x128xf32, #tpu.memory_space<vmem>>, vector<1x1x16xf32>,
        %get3A_784 = vector.shape_cast %get3A_783 : vector<1x1x16xf32> to vector<16xf32>
        %max3A_785 = arith.maximumf %scan3A_754, %get3A_784 : vector<16xf32>
        %get3A_786 = arith.constant 2 : i32
        %get3A_787 = arith.index_cast %get3A_786 : i32 to index
        %get3A_788 = arith.index_cast %scan3A_750 : i32 to index
        %get3A_789 = arith.constant 64 : index
        %get3A_790 = tpu.vector_load %arg6[%get3A_787, %get3A_788, %get3A_789] {strides = array<i32>} : memref<3x200x128xf32, #tpu.memory_space<vmem>>, vector<1x1x16xf32>,
        %get3A_791 = vector.shape_cast %get3A_790 : vector<1x1x16xf32> to vector<16xf32>
        %max3A_792 = arith.maximumf %scan3A_755, %get3A_791 : vector<16xf32>
        %get3A_793 = arith.constant 2 : i32
        %get3A_794 = arith.index_cast %get3A_793 : i32 to index
        %get3A_795 = arith.index_cast %scan3A_750 : i32 to index
        %get3A_796 = arith.constant 80 : index
        %get3A_797 = tpu.vector_load %arg6[%get3A_794, %get3A_795, %get3A_796] {strides = array<i32>} : memref<3x200x128xf32, #tpu.memory_space<vmem>>, vector<1x1x16xf32>,
        %get3A_798 = vector.shape_cast %get3A_797 : vector<1x1x16xf32> to vector<16xf32>
        %max3A_799 = arith.maximumf %scan3A_756, %get3A_798 : vector<16xf32>
        %get3A_800 = arith.constant 2 : i32
        %get3A_801 = arith.index_cast %get3A_800 : i32 to index
        %get3A_802 = arith.index_cast %scan3A_750 : i32 to index
        %get3A_803 = arith.constant 96 : index
        %get3A_804 = tpu.vector_load %arg6[%get3A_801, %get3A_802, %get3A_803] {strides = array<i32>} : memref<3x200x128xf32, #tpu.memory_space<vmem>>, vector<1x1x16xf32>,
        %get3A_805 = vector.shape_cast %get3A_804 : vector<1x1x16xf32> to vector<16xf32>
        %max3A_806 = arith.maximumf %scan3A_757, %get3A_805 : vector<16xf32>
        %get3A_807 = arith.constant 2 : i32
        %get3A_808 = arith.index_cast %get3A_807 : i32 to index
        %get3A_809 = arith.index_cast %scan3A_750 : i32 to index
        %get3A_810 = arith.constant 112 : index
        %get3A_811 = tpu.vector_load %arg6[%get3A_808, %get3A_809, %get3A_810] {strides = array<i32>} : memref<3x200x128xf32, #tpu.memory_space<vmem>>, vector<1x1x16xf32>,
        %get3A_812 = vector.shape_cast %get3A_811 : vector<1x1x16xf32> to vector<16xf32>
        %max3A_813 = arith.maximumf %scan3A_758, %get3A_812 : vector<16xf32>
        scf.yield %max3A, %max3A_771, %max3A_778, %max3A_785, %max3A_792, %max3A_799, %max3A_806, %max3A_813 : vector<16xf32>, vector<16xf32>, vector<16xf32>, vector<16xf32>, vector<16xf32>, vector<16xf32>, vector<16xf32>, vector<16xf32>
      }
      %scan3A_708 = arith.constant 72 : i32
      %swap3A_709 = arith.index_cast %add3A_613 : i32 to index
      %swap3A_710 = arith.constant 0 : index
      %swap3A_711 = tpu.vector_load %arg7[%swap3A_709, %swap3A_710] {strides = array<i32>} : memref<128x128xf32, #tpu.memory_space<vmem>>, vector<1x16xf32>,
      %swap3A_712 = vector.shape_cast %swap3A_711 : vector<1x16xf32> to vector<16xf32>
      %swap3A_713 = vector.shape_cast %scan3A_707#0 : vector<16xf32> to vector<1x16xf32>
      tpu.vector_store %arg7[%swap3A_709, %swap3A_710], %swap3A_713 {strides = array<i32>} : memref<128x128xf32, #tpu.memory_space<vmem>>, vector<1x16xf32>,
      %swap3A_714 = arith.index_cast %add3A_613 : i32 to index
      %swap3A_715 = arith.constant 16 : index
      %swap3A_716 = tpu.vector_load %arg7[%swap3A_714, %swap3A_715] {strides = array<i32>} : memref<128x128xf32, #tpu.memory_space<vmem>>, vector<1x16xf32>,
      %swap3A_717 = vector.shape_cast %swap3A_716 : vector<1x16xf32> to vector<16xf32>
      %swap3A_718 = vector.shape_cast %scan3A_707#1 : vector<16xf32> to vector<1x16xf32>
      tpu.vector_store %arg7[%swap3A_714, %swap3A_715], %swap3A_718 {strides = array<i32>} : memref<128x128xf32, #tpu.memory_space<vmem>>, vector<1x16xf32>,
      %swap3A_719 = arith.index_cast %add3A_613 : i32 to index
      %swap3A_720 = arith.constant 32 : index
      %swap3A_721 = tpu.vector_load %arg7[%swap3A_719, %swap3A_720] {strides = array<i32>} : memref<128x128xf32, #tpu.memory_space<vmem>>, vector<1x16xf32>,
      %swap3A_722 = vector.shape_cast %swap3A_721 : vector<1x16xf32> to vector<16xf32>
      %swap3A_723 = vector.shape_cast %scan3A_707#2 : vector<16xf32> to vector<1x16xf32>
      tpu.vector_store %arg7[%swap3A_719, %swap3A_720], %swap3A_723 {strides = array<i32>} : memref<128x128xf32, #tpu.memory_space<vmem>>, vector<1x16xf32>,
      %swap3A_724 = arith.index_cast %add3A_613 : i32 to index
      %swap3A_725 = arith.constant 48 : index
      %swap3A_726 = tpu.vector_load %arg7[%swap3A_724, %swap3A_725] {strides = array<i32>} : memref<128x128xf32, #tpu.memory_space<vmem>>, vector<1x16xf32>,
      %swap3A_727 = vector.shape_cast %swap3A_726 : vector<1x16xf32> to vector<16xf32>
      %swap3A_728 = vector.shape_cast %scan3A_707#3 : vector<16xf32> to vector<1x16xf32>
      tpu.vector_store %arg7[%swap3A_724, %swap3A_725], %swap3A_728 {strides = array<i32>} : memref<128x128xf32, #tpu.memory_space<vmem>>, vector<1x16xf32>,
      %swap3A_729 = arith.index_cast %add3A_613 : i32 to index
      %swap3A_730 = arith.constant 64 : index
      %swap3A_731 = tpu.vector_load %arg7[%swap3A_729, %swap3A_730] {strides = array<i32>} : memref<128x128xf32, #tpu.memory_space<vmem>>, vector<1x16xf32>,
      %swap3A_732 = vector.shape_cast %swap3A_731 : vector<1x16xf32> to vector<16xf32>
      %swap3A_733 = vector.shape_cast %scan3A_707#4 : vector<16xf32> to vector<1x16xf32>
      tpu.vector_store %arg7[%swap3A_729, %swap3A_730], %swap3A_733 {strides = array<i32>} : memref<128x128xf32, #tpu.memory_space<vmem>>, vector<1x16xf32>,
      %swap3A_734 = arith.index_cast %add3A_613 : i32 to index
      %swap3A_735 = arith.constant 80 : index
      %swap3A_736 = tpu.vector_load %arg7[%swap3A_734, %swap3A_735] {strides = array<i32>} : memref<128x128xf32, #tpu.memory_space<vmem>>, vector<1x16xf32>,
      %swap3A_737 = vector.shape_cast %swap3A_736 : vector<1x16xf32> to vector<16xf32>
      %swap3A_738 = vector.shape_cast %scan3A_707#5 : vector<16xf32> to vector<1x16xf32>
      tpu.vector_store %arg7[%swap3A_734, %swap3A_735], %swap3A_738 {strides = array<i32>} : memref<128x128xf32, #tpu.memory_space<vmem>>, vector<1x16xf32>,
      %swap3A_739 = arith.index_cast %add3A_613 : i32 to index
      %swap3A_740 = arith.constant 96 : index
      %swap3A_741 = tpu.vector_load %arg7[%swap3A_739, %swap3A_740] {strides = array<i32>} : memref<128x128xf32, #tpu.memory_space<vmem>>, vector<1x16xf32>,
      %swap3A_742 = vector.shape_cast %swap3A_741 : vector<1x16xf32> to vector<16xf32>
      %swap3A_743 = vector.shape_cast %scan3A_707#6 : vector<16xf32> to vector<1x16xf32>
      tpu.vector_store %arg7[%swap3A_739, %swap3A_740], %swap3A_743 {strides = array<i32>} : memref<128x128xf32, #tpu.memory_space<vmem>>, vector<1x16xf32>,
      %swap3A_744 = arith.index_cast %add3A_613 : i32 to index
      %swap3A_745 = arith.constant 112 : index
      %swap3A_746 = tpu.vector_load %arg7[%swap3A_744, %swap3A_745] {strides = array<i32>} : memref<128x128xf32, #tpu.memory_space<vmem>>, vector<1x16xf32>,
      %swap3A_747 = vector.shape_cast %swap3A_746 : vector<1x16xf32> to vector<16xf32>
      %swap3A_748 = vector.shape_cast %scan3A_707#7 : vector<16xf32> to vector<1x16xf32>
      tpu.vector_store %arg7[%swap3A_744, %swap3A_745], %swap3A_748 {strides = array<i32>} : memref<128x128xf32, #tpu.memory_space<vmem>>, vector<1x16xf32>,
      %scan3A_749 = arith.constant 0 : i32
      scf.yield %scan3A_749 : i32
    }
    %scan3A_55 = arith.constant 42 : i32
    %dma_wait3A = arith.constant 126 : i32
    %dma_wait3A_56 = arith.constant 0 : i32
    %dma_wait3A_57 = arith.constant 0 : i32
    %dma_wait3A_58 = arith.constant 0 : i32
    %dma_wait3A_59 = tpu.memref_slice %arg6[%dma_wait3A_56, %dma_wait3A_57, %dma_wait3A_58] : memref<3x200x128xf32, #tpu.memory_space<vmem>> -> memref<1x128x128xf32, #tpu.memory_space<vmem>>
    %dma_wait3A_60 = tpu.memref_squeeze %dma_wait3A_59 : memref<1x128x128xf32, #tpu.memory_space<vmem>> -> memref<128x128xf32, #tpu.memory_space<vmem>>
    %dma_wait3A_61 = arith.constant 0 : i32
    %dma_wait3A_62 = tpu.memref_slice %arg5[%dma_wait3A, %dma_wait3A_61] : memref<128x200xi32, #tpu.memory_space<vmem>> -> memref<1x128xi32, #tpu.memory_space<vmem>>
    %dma_wait3A_63 = tpu.memref_squeeze %dma_wait3A_62 : memref<1x128xi32, #tpu.memory_space<vmem>> -> memref<128xi32, #tpu.memory_space<vmem>>
    %dma_wait3A_64 = arith.constant 0 : i32
    %dma_wait3A_65 = arith.constant 0 : i32
    %dma_wait3A_66 = tpu.memref_slice %arg3[%dma_wait3A_64, %dma_wait3A_65] : memref<100000x128xf32, #tpu.memory_space<hbm>> -> memref<100000x128xf32, #tpu.memory_space<hbm>>
    tpu.wait_indirect_dma semaphore(%arg8 : memref<!tpu.dma_semaphore, #tpu.memory_space<semaphore_mem>>) src(%dma_wait3A_66 : memref<100000x128xf32, #tpu.memory_space<hbm>>) dst(%dma_wait3A_60 : memref<128x128xf32, #tpu.memory_space<vmem>>)
    %get3A = arith.constant 0 : i32
    %get3A_67 = arith.constant 0 : i32
    %get3A_68 = arith.index_cast %get3A : i32 to index
    %get3A_69 = arith.index_cast %get3A_67 : i32 to index
    %get3A_70 = arith.constant 0 : index
    %get3A_71 = tpu.vector_load %arg6[%get3A_68, %get3A_69, %get3A_70] {strides = array<i32>} : memref<3x200x128xf32, #tpu.memory_space<vmem>>, vector<1x1x16xf32>,
    %get3A_72 = vector.shape_cast %get3A_71 : vector<1x1x16xf32> to vector<16xf32>
    %get3A_73 = arith.constant 0 : i32
    %get3A_74 = arith.constant 0 : i32
    %get3A_75 = arith.index_cast %get3A_73 : i32 to index
    %get3A_76 = arith.index_cast %get3A_74 : i32 to index
    %get3A_77 = arith.constant 16 : index
    %get3A_78 = tpu.vector_load %arg6[%get3A_75, %get3A_76, %get3A_77] {strides = array<i32>} : memref<3x200x128xf32, #tpu.memory_space<vmem>>, vector<1x1x16xf32>,
    %get3A_79 = vector.shape_cast %get3A_78 : vector<1x1x16xf32> to vector<16xf32>
    %get3A_80 = arith.constant 0 : i32
    %get3A_81 = arith.constant 0 : i32
    %get3A_82 = arith.index_cast %get3A_80 : i32 to index
    %get3A_83 = arith.index_cast %get3A_81 : i32 to index
    %get3A_84 = arith.constant 32 : index
    %get3A_85 = tpu.vector_load %arg6[%get3A_82, %get3A_83, %get3A_84] {strides = array<i32>} : memref<3x200x128xf32, #tpu.memory_space<vmem>>, vector<1x1x16xf32>,
    %get3A_86 = vector.shape_cast %get3A_85 : vector<1x1x16xf32> to vector<16xf32>
    %get3A_87 = arith.constant 0 : i32
    %get3A_88 = arith.constant 0 : i32
    %get3A_89 = arith.index_cast %get3A_87 : i32 to index
    %get3A_90 = arith.index_cast %get3A_88 : i32 to index
    %get3A_91 = arith.constant 48 : index
    %get3A_92 = tpu.vector_load %arg6[%get3A_89, %get3A_90, %get3A_91] {strides = array<i32>} : memref<3x200x128xf32, #tpu.memory_space<vmem>>, vector<1x1x16xf32>,
    %get3A_93 = vector.shape_cast %get3A_92 : vector<1x1x16xf32> to vector<16xf32>
    %get3A_94 = arith.constant 0 : i32
    %get3A_95 = arith.constant 0 : i32
    %get3A_96 = arith.index_cast %get3A_94 : i32 to index
    %get3A_97 = arith.index_cast %get3A_95 : i32 to index
    %get3A_98 = arith.constant 64 : index
    %get3A_99 = tpu.vector_load %arg6[%get3A_96, %get3A_97, %get3A_98] {strides = array<i32>} : memref<3x200x128xf32, #tpu.memory_space<vmem>>, vector<1x1x16xf32>,
    %get3A_100 = vector.shape_cast %get3A_99 : vector<1x1x16xf32> to vector<16xf32>
    %get3A_101 = arith.constant 0 : i32
    %get3A_102 = arith.constant 0 : i32
    %get3A_103 = arith.index_cast %get3A_101 : i32 to index
    %get3A_104 = arith.index_cast %get3A_102 : i32 to index
    %get3A_105 = arith.constant 80 : index
    %get3A_106 = tpu.vector_load %arg6[%get3A_103, %get3A_104, %get3A_105] {strides = array<i32>} : memref<3x200x128xf32, #tpu.memory_space<vmem>>, vector<1x1x16xf32>,
    %get3A_107 = vector.shape_cast %get3A_106 : vector<1x1x16xf32> to vector<16xf32>
    %get3A_108 = arith.constant 0 : i32
    %get3A_109 = arith.constant 0 : i32
    %get3A_110 = arith.index_cast %get3A_108 : i32 to index
    %get3A_111 = arith.index_cast %get3A_109 : i32 to index
    %get3A_112 = arith.constant 96 : index
    %get3A_113 = tpu.vector_load %arg6[%get3A_110, %get3A_111, %get3A_112] {strides = array<i32>} : memref<3x200x128xf32, #tpu.memory_space<vmem>>, vector<1x1x16xf32>,
    %get3A_114 = vector.shape_cast %get3A_113 : vector<1x1x16xf32> to vector<16xf32>
    %get3A_115 = arith.constant 0 : i32
    %get3A_116 = arith.constant 0 : i32
    %get3A_117 = arith.index_cast %get3A_115 : i32 to index
    %get3A_118 = arith.index_cast %get3A_116 : i32 to index
    %get3A_119 = arith.constant 112 : index
    %get3A_120 = tpu.vector_load %arg6[%get3A_117, %get3A_118, %get3A_119] {strides = array<i32>} : memref<3x200x128xf32, #tpu.memory_space<vmem>>, vector<1x1x16xf32>,
    %get3A_121 = vector.shape_cast %get3A_120 : vector<1x1x16xf32> to vector<16xf32>
    %scan3A_122 = arith.constant 1 : i32
    %scan3A_123 = arith.constant 127 : i32
    %scan3A_124 = arith.addi %scan3A_122, %scan3A_123 : i32
    %scan3A_125 = arith.constant 1 : i32
    %scan3A_126:8 = scf.for %scan3A_333 = %scan3A_122 to %scan3A_124 step %scan3A_125 iter_args(%scan3A_334 = %get3A_72, %scan3A_335 = %get3A_79, %scan3A_336 = %get3A_86, %scan3A_337 = %get3A_93, %scan3A_338 = %get3A_100, %scan3A_339 = %get3A_107, %scan3A_340 = %get3A_114, %scan3A_341 = %get3A_121) -> (vector<16xf32>, vector<16xf32>, vector<16xf32>, vector<16xf32>, vector<16xf32>, vector<16xf32>, vector<16xf32>, vector<16xf32>)  : i32 {
      %get3A_342 = arith.constant 0 : i32
      %get3A_343 = arith.index_cast %get3A_342 : i32 to index
      %get3A_344 = arith.index_cast %scan3A_333 : i32 to index
      %get3A_345 = arith.constant 0 : index
      %get3A_346 = tpu.vector_load %arg6[%get3A_343, %get3A_344, %get3A_345] {strides = array<i32>} : memref<3x200x128xf32, #tpu.memory_space<vmem>>, vector<1x1x16xf32>,
      %get3A_347 = vector.shape_cast %get3A_346 : vector<1x1x16xf32> to vector<16xf32>
      %max3A = arith.maximumf %scan3A_334, %get3A_347 : vector<16xf32>
      %get3A_348 = arith.constant 0 : i32
      %get3A_349 = arith.index_cast %get3A_348 : i32 to index
      %get3A_350 = arith.index_cast %scan3A_333 : i32 to index
      %get3A_351 = arith.constant 16 : index
      %get3A_352 = tpu.vector_load %arg6[%get3A_349, %get3A_350, %get3A_351] {strides = array<i32>} : memref<3x200x128xf32, #tpu.memory_space<vmem>>, vector<1x1x16xf32>,
      %get3A_353 = vector.shape_cast %get3A_352 : vector<1x1x16xf32> to vector<16xf32>
      %max3A_354 = arith.maximumf %scan3A_335, %get3A_353 : vector<16xf32>
      %get3A_355 = arith.constant 0 : i32
      %get3A_356 = arith.index_cast %get3A_355 : i32 to index
      %get3A_357 = arith.index_cast %scan3A_333 : i32 to index
      %get3A_358 = arith.constant 32 : index
      %get3A_359 = tpu.vector_load %arg6[%get3A_356, %get3A_357, %get3A_358] {strides = array<i32>} : memref<3x200x128xf32, #tpu.memory_space<vmem>>, vector<1x1x16xf32>,
      %get3A_360 = vector.shape_cast %get3A_359 : vector<1x1x16xf32> to vector<16xf32>
      %max3A_361 = arith.maximumf %scan3A_336, %get3A_360 : vector<16xf32>
      %get3A_362 = arith.constant 0 : i32
      %get3A_363 = arith.index_cast %get3A_362 : i32 to index
      %get3A_364 = arith.index_cast %scan3A_333 : i32 to index
      %get3A_365 = arith.constant 48 : index
      %get3A_366 = tpu.vector_load %arg6[%get3A_363, %get3A_364, %get3A_365] {strides = array<i32>} : memref<3x200x128xf32, #tpu.memory_space<vmem>>, vector<1x1x16xf32>,
      %get3A_367 = vector.shape_cast %get3A_366 : vector<1x1x16xf32> to vector<16xf32>
      %max3A_368 = arith.maximumf %scan3A_337, %get3A_367 : vector<16xf32>
      %get3A_369 = arith.constant 0 : i32
      %get3A_370 = arith.index_cast %get3A_369 : i32 to index
      %get3A_371 = arith.index_cast %scan3A_333 : i32 to index
      %get3A_372 = arith.constant 64 : index
      %get3A_373 = tpu.vector_load %arg6[%get3A_370, %get3A_371, %get3A_372] {strides = array<i32>} : memref<3x200x128xf32, #tpu.memory_space<vmem>>, vector<1x1x16xf32>,
      %get3A_374 = vector.shape_cast %get3A_373 : vector<1x1x16xf32> to vector<16xf32>
      %max3A_375 = arith.maximumf %scan3A_338, %get3A_374 : vector<16xf32>
      %get3A_376 = arith.constant 0 : i32
      %get3A_377 = arith.index_cast %get3A_376 : i32 to index
      %get3A_378 = arith.index_cast %scan3A_333 : i32 to index
      %get3A_379 = arith.constant 80 : index
      %get3A_380 = tpu.vector_load %arg6[%get3A_377, %get3A_378, %get3A_379] {strides = array<i32>} : memref<3x200x128xf32, #tpu.memory_space<vmem>>, vector<1x1x16xf32>,
      %get3A_381 = vector.shape_cast %get3A_380 : vector<1x1x16xf32> to vector<16xf32>
      %max3A_382 = arith.maximumf %scan3A_339, %get3A_381 : vector<16xf32>
      %get3A_383 = arith.constant 0 : i32
      %get3A_384 = arith.index_cast %get3A_383 : i32 to index
      %get3A_385 = arith.index_cast %scan3A_333 : i32 to index
      %get3A_386 = arith.constant 96 : index
      %get3A_387 = tpu.vector_load %arg6[%get3A_384, %get3A_385, %get3A_386] {strides = array<i32>} : memref<3x200x128xf32, #tpu.memory_space<vmem>>, vector<1x1x16xf32>,
      %get3A_388 = vector.shape_cast %get3A_387 : vector<1x1x16xf32> to vector<16xf32>
      %max3A_389 = arith.maximumf %scan3A_340, %get3A_388 : vector<16xf32>
      %get3A_390 = arith.constant 0 : i32
      %get3A_391 = arith.index_cast %get3A_390 : i32 to index
      %get3A_392 = arith.index_cast %scan3A_333 : i32 to index
      %get3A_393 = arith.constant 112 : index
      %get3A_394 = tpu.vector_load %arg6[%get3A_391, %get3A_392, %get3A_393] {strides = array<i32>} : memref<3x200x128xf32, #tpu.memory_space<vmem>>, vector<1x1x16xf32>,
      %get3A_395 = vector.shape_cast %get3A_394 : vector<1x1x16xf32> to vector<16xf32>
      %max3A_396 = arith.maximumf %scan3A_341, %get3A_395 : vector<16xf32>
      scf.yield %max3A, %max3A_354, %max3A_361, %max3A_368, %max3A_375, %max3A_382, %max3A_389, %max3A_396 : vector<16xf32>, vector<16xf32>, vector<16xf32>, vector<16xf32>, vector<16xf32>, vector<16xf32>, vector<16xf32>, vector<16xf32>
    }
    %scan3A_127 = arith.constant 127 : i32
    %dma_wait3A_128 = arith.constant 126 : i32
    %dma_wait3A_129 = arith.constant 0 : i32
    %dma_wait3A_130 = arith.constant 128 : i32
    %dma_wait3A_131 = arith.constant 0 : i32
    %dma_wait3A_132 = tpu.memref_slice %arg6[%dma_wait3A_129, %dma_wait3A_130, %dma_wait3A_131] : memref<3x200x128xf32, #tpu.memory_space<vmem>> -> memref<1x72x128xf32, #tpu.memory_space<vmem>>
    %dma_wait3A_133 = tpu.memref_squeeze %dma_wait3A_132 : memref<1x72x128xf32, #tpu.memory_space<vmem>> -> memref<72x128xf32, #tpu.memory_space<vmem>>
    %dma_wait3A_134 = arith.constant 128 : i32
    %dma_wait3A_135 = tpu.memref_slice %arg5[%dma_wait3A_128, %dma_wait3A_134] : memref<128x200xi32, #tpu.memory_space<vmem>> -> memref<1x72xi32, #tpu.memory_space<vmem>>
    %dma_wait3A_136 = tpu.memref_squeeze %dma_wait3A_135 : memref<1x72xi32, #tpu.memory_space<vmem>> -> memref<72xi32, #tpu.memory_space<vmem>>
    %dma_wait3A_137 = arith.constant 0 : i32
    %dma_wait3A_138 = arith.constant 0 : i32
    %dma_wait3A_139 = tpu.memref_slice %arg3[%dma_wait3A_137, %dma_wait3A_138] : memref<100000x128xf32, #tpu.memory_space<hbm>> -> memref<100000x128xf32, #tpu.memory_space<hbm>>
    tpu.wait_indirect_dma semaphore(%arg11 : memref<!tpu.dma_semaphore, #tpu.memory_space<semaphore_mem>>) src(%dma_wait3A_139 : memref<100000x128xf32, #tpu.memory_space<hbm>>) dst(%dma_wait3A_133 : memref<72x128xf32, #tpu.memory_space<vmem>>)
    %scan3A_140 = arith.constant 128 : i32
    %scan3A_141 = arith.constant 72 : i32
    %scan3A_142 = arith.addi %scan3A_140, %scan3A_141 : i32
    %scan3A_143 = arith.constant 1 : i32
    %scan3A_144:8 = scf.for %scan3A_333 = %scan3A_140 to %scan3A_142 step %scan3A_143 iter_args(%scan3A_334 = %scan3A_126#0, %scan3A_335 = %scan3A_126#1, %scan3A_336 = %scan3A_126#2, %scan3A_337 = %scan3A_126#3, %scan3A_338 = %scan3A_126#4, %scan3A_339 = %scan3A_126#5, %scan3A_340 = %scan3A_126#6, %scan3A_341 = %scan3A_126#7) -> (vector<16xf32>, vector<16xf32>, vector<16xf32>, vector<16xf32>, vector<16xf32>, vector<16xf32>, vector<16xf32>, vector<16xf32>)  : i32 {
      %get3A_342 = arith.constant 0 : i32
      %get3A_343 = arith.index_cast %get3A_342 : i32 to index
      %get3A_344 = arith.index_cast %scan3A_333 : i32 to index
      %get3A_345 = arith.constant 0 : index
      %get3A_346 = tpu.vector_load %arg6[%get3A_343, %get3A_344, %get3A_345] {strides = array<i32>} : memref<3x200x128xf32, #tpu.memory_space<vmem>>, vector<1x1x16xf32>,
      %get3A_347 = vector.shape_cast %get3A_346 : vector<1x1x16xf32> to vector<16xf32>
      %max3A = arith.maximumf %scan3A_334, %get3A_347 : vector<16xf32>
      %get3A_348 = arith.constant 0 : i32
      %get3A_349 = arith.index_cast %get3A_348 : i32 to index
      %get3A_350 = arith.index_cast %scan3A_333 : i32 to index
      %get3A_351 = arith.constant 16 : index
      %get3A_352 = tpu.vector_load %arg6[%get3A_349, %get3A_350, %get3A_351] {strides = array<i32>} : memref<3x200x128xf32, #tpu.memory_space<vmem>>, vector<1x1x16xf32>,
      %get3A_353 = vector.shape_cast %get3A_352 : vector<1x1x16xf32> to vector<16xf32>
      %max3A_354 = arith.maximumf %scan3A_335, %get3A_353 : vector<16xf32>
      %get3A_355 = arith.constant 0 : i32
      %get3A_356 = arith.index_cast %get3A_355 : i32 to index
      %get3A_357 = arith.index_cast %scan3A_333 : i32 to index
      %get3A_358 = arith.constant 32 : index
      %get3A_359 = tpu.vector_load %arg6[%get3A_356, %get3A_357, %get3A_358] {strides = array<i32>} : memref<3x200x128xf32, #tpu.memory_space<vmem>>, vector<1x1x16xf32>,
      %get3A_360 = vector.shape_cast %get3A_359 : vector<1x1x16xf32> to vector<16xf32>
      %max3A_361 = arith.maximumf %scan3A_336, %get3A_360 : vector<16xf32>
      %get3A_362 = arith.constant 0 : i32
      %get3A_363 = arith.index_cast %get3A_362 : i32 to index
      %get3A_364 = arith.index_cast %scan3A_333 : i32 to index
      %get3A_365 = arith.constant 48 : index
      %get3A_366 = tpu.vector_load %arg6[%get3A_363, %get3A_364, %get3A_365] {strides = array<i32>} : memref<3x200x128xf32, #tpu.memory_space<vmem>>, vector<1x1x16xf32>,
      %get3A_367 = vector.shape_cast %get3A_366 : vector<1x1x16xf32> to vector<16xf32>
      %max3A_368 = arith.maximumf %scan3A_337, %get3A_367 : vector<16xf32>
      %get3A_369 = arith.constant 0 : i32
      %get3A_370 = arith.index_cast %get3A_369 : i32 to index
      %get3A_371 = arith.index_cast %scan3A_333 : i32 to index
      %get3A_372 = arith.constant 64 : index
      %get3A_373 = tpu.vector_load %arg6[%get3A_370, %get3A_371, %get3A_372] {strides = array<i32>} : memref<3x200x128xf32, #tpu.memory_space<vmem>>, vector<1x1x16xf32>,
      %get3A_374 = vector.shape_cast %get3A_373 : vector<1x1x16xf32> to vector<16xf32>
      %max3A_375 = arith.maximumf %scan3A_338, %get3A_374 : vector<16xf32>
      %get3A_376 = arith.constant 0 : i32
      %get3A_377 = arith.index_cast %get3A_376 : i32 to index
      %get3A_378 = arith.index_cast %scan3A_333 : i32 to index
      %get3A_379 = arith.constant 80 : index
      %get3A_380 = tpu.vector_load %arg6[%get3A_377, %get3A_378, %get3A_379] {strides = array<i32>} : memref<3x200x128xf32, #tpu.memory_space<vmem>>, vector<1x1x16xf32>,
      %get3A_381 = vector.shape_cast %get3A_380 : vector<1x1x16xf32> to vector<16xf32>
      %max3A_382 = arith.maximumf %scan3A_339, %get3A_381 : vector<16xf32>
      %get3A_383 = arith.constant 0 : i32
      %get3A_384 = arith.index_cast %get3A_383 : i32 to index
      %get3A_385 = arith.index_cast %scan3A_333 : i32 to index
      %get3A_386 = arith.constant 96 : index
      %get3A_387 = tpu.vector_load %arg6[%get3A_384, %get3A_385, %get3A_386] {strides = array<i32>} : memref<3x200x128xf32, #tpu.memory_space<vmem>>, vector<1x1x16xf32>,
      %get3A_388 = vector.shape_cast %get3A_387 : vector<1x1x16xf32> to vector<16xf32>
      %max3A_389 = arith.maximumf %scan3A_340, %get3A_388 : vector<16xf32>
      %get3A_390 = arith.constant 0 : i32
      %get3A_391 = arith.index_cast %get3A_390 : i32 to index
      %get3A_392 = arith.index_cast %scan3A_333 : i32 to index
      %get3A_393 = arith.constant 112 : index
      %get3A_394 = tpu.vector_load %arg6[%get3A_391, %get3A_392, %get3A_393] {strides = array<i32>} : memref<3x200x128xf32, #tpu.memory_space<vmem>>, vector<1x1x16xf32>,
      %get3A_395 = vector.shape_cast %get3A_394 : vector<1x1x16xf32> to vector<16xf32>
      %max3A_396 = arith.maximumf %scan3A_341, %get3A_395 : vector<16xf32>
      scf.yield %max3A, %max3A_354, %max3A_361, %max3A_368, %max3A_375, %max3A_382, %max3A_389, %max3A_396 : vector<16xf32>, vector<16xf32>, vector<16xf32>, vector<16xf32>, vector<16xf32>, vector<16xf32>, vector<16xf32>, vector<16xf32>
    }
    %scan3A_145 = arith.constant 72 : i32
    %swap3A = arith.constant 126 : i32
    %swap3A_146 = arith.index_cast %swap3A : i32 to index
    %swap3A_147 = arith.constant 0 : index
    %swap3A_148 = tpu.vector_load %arg7[%swap3A_146, %swap3A_147] {strides = array<i32>} : memref<128x128xf32, #tpu.memory_space<vmem>>, vector<1x16xf32>,
    %swap3A_149 = vector.shape_cast %swap3A_148 : vector<1x16xf32> to vector<16xf32>
    %swap3A_150 = vector.shape_cast %scan3A_144#0 : vector<16xf32> to vector<1x16xf32>
    tpu.vector_store %arg7[%swap3A_146, %swap3A_147], %swap3A_150 {strides = array<i32>} : memref<128x128xf32, #tpu.memory_space<vmem>>, vector<1x16xf32>,
    %swap3A_151 = arith.constant 126 : i32
    %swap3A_152 = arith.index_cast %swap3A_151 : i32 to index
    %swap3A_153 = arith.constant 16 : index
    %swap3A_154 = tpu.vector_load %arg7[%swap3A_152, %swap3A_153] {strides = array<i32>} : memref<128x128xf32, #tpu.memory_space<vmem>>, vector<1x16xf32>,
    %swap3A_155 = vector.shape_cast %swap3A_154 : vector<1x16xf32> to vector<16xf32>
    %swap3A_156 = vector.shape_cast %scan3A_144#1 : vector<16xf32> to vector<1x16xf32>
    tpu.vector_store %arg7[%swap3A_152, %swap3A_153], %swap3A_156 {strides = array<i32>} : memref<128x128xf32, #tpu.memory_space<vmem>>, vector<1x16xf32>,
    %swap3A_157 = arith.constant 126 : i32
    %swap3A_158 = arith.index_cast %swap3A_157 : i32 to index
    %swap3A_159 = arith.constant 32 : index
    %swap3A_160 = tpu.vector_load %arg7[%swap3A_158, %swap3A_159] {strides = array<i32>} : memref<128x128xf32, #tpu.memory_space<vmem>>, vector<1x16xf32>,
    %swap3A_161 = vector.shape_cast %swap3A_160 : vector<1x16xf32> to vector<16xf32>
    %swap3A_162 = vector.shape_cast %scan3A_144#2 : vector<16xf32> to vector<1x16xf32>
    tpu.vector_store %arg7[%swap3A_158, %swap3A_159], %swap3A_162 {strides = array<i32>} : memref<128x128xf32, #tpu.memory_space<vmem>>, vector<1x16xf32>,
    %swap3A_163 = arith.constant 126 : i32
    %swap3A_164 = arith.index_cast %swap3A_163 : i32 to index
    %swap3A_165 = arith.constant 48 : index
    %swap3A_166 = tpu.vector_load %arg7[%swap3A_164, %swap3A_165] {strides = array<i32>} : memref<128x128xf32, #tpu.memory_space<vmem>>, vector<1x16xf32>,
    %swap3A_167 = vector.shape_cast %swap3A_166 : vector<1x16xf32> to vector<16xf32>
    %swap3A_168 = vector.shape_cast %scan3A_144#3 : vector<16xf32> to vector<1x16xf32>
    tpu.vector_store %arg7[%swap3A_164, %swap3A_165], %swap3A_168 {strides = array<i32>} : memref<128x128xf32, #tpu.memory_space<vmem>>, vector<1x16xf32>,
    %swap3A_169 = arith.constant 126 : i32
    %swap3A_170 = arith.index_cast %swap3A_169 : i32 to index
    %swap3A_171 = arith.constant 64 : index
    %swap3A_172 = tpu.vector_load %arg7[%swap3A_170, %swap3A_171] {strides = array<i32>} : memref<128x128xf32, #tpu.memory_space<vmem>>, vector<1x16xf32>,
    %swap3A_173 = vector.shape_cast %swap3A_172 : vector<1x16xf32> to vector<16xf32>
    %swap3A_174 = vector.shape_cast %scan3A_144#4 : vector<16xf32> to vector<1x16xf32>
    tpu.vector_store %arg7[%swap3A_170, %swap3A_171], %swap3A_174 {strides = array<i32>} : memref<128x128xf32, #tpu.memory_space<vmem>>, vector<1x16xf32>,
    %swap3A_175 = arith.constant 126 : i32
    %swap3A_176 = arith.index_cast %swap3A_175 : i32 to index
    %swap3A_177 = arith.constant 80 : index
    %swap3A_178 = tpu.vector_load %arg7[%swap3A_176, %swap3A_177] {strides = array<i32>} : memref<128x128xf32, #tpu.memory_space<vmem>>, vector<1x16xf32>,
    %swap3A_179 = vector.shape_cast %swap3A_178 : vector<1x16xf32> to vector<16xf32>
    %swap3A_180 = vector.shape_cast %scan3A_144#5 : vector<16xf32> to vector<1x16xf32>
    tpu.vector_store %arg7[%swap3A_176, %swap3A_177], %swap3A_180 {strides = array<i32>} : memref<128x128xf32, #tpu.memory_space<vmem>>, vector<1x16xf32>,
    %swap3A_181 = arith.constant 126 : i32
    %swap3A_182 = arith.index_cast %swap3A_181 : i32 to index
    %swap3A_183 = arith.constant 96 : index
    %swap3A_184 = tpu.vector_load %arg7[%swap3A_182, %swap3A_183] {strides = array<i32>} : memref<128x128xf32, #tpu.memory_space<vmem>>, vector<1x16xf32>,
    %swap3A_185 = vector.shape_cast %swap3A_184 : vector<1x16xf32> to vector<16xf32>
    %swap3A_186 = vector.shape_cast %scan3A_144#6 : vector<16xf32> to vector<1x16xf32>
    tpu.vector_store %arg7[%swap3A_182, %swap3A_183], %swap3A_186 {strides = array<i32>} : memref<128x128xf32, #tpu.memory_space<vmem>>, vector<1x16xf32>,
    %swap3A_187 = arith.constant 126 : i32
    %swap3A_188 = arith.index_cast %swap3A_187 : i32 to index
    %swap3A_189 = arith.constant 112 : index
    %swap3A_190 = tpu.vector_load %arg7[%swap3A_188, %swap3A_189] {strides = array<i32>} : memref<128x128xf32, #tpu.memory_space<vmem>>, vector<1x16xf32>,
    %swap3A_191 = vector.shape_cast %swap3A_190 : vector<1x16xf32> to vector<16xf32>
    %swap3A_192 = vector.shape_cast %scan3A_144#7 : vector<16xf32> to vector<1x16xf32>
    tpu.vector_store %arg7[%swap3A_188, %swap3A_189], %swap3A_192 {strides = array<i32>} : memref<128x128xf32, #tpu.memory_space<vmem>>, vector<1x16xf32>,
    %dma_wait3A_193 = arith.constant 127 : i32
    %dma_wait3A_194 = arith.constant 1 : i32
    %dma_wait3A_195 = arith.constant 0 : i32
    %dma_wait3A_196 = arith.constant 0 : i32
    %dma_wait3A_197 = tpu.memref_slice %arg6[%dma_wait3A_194, %dma_wait3A_195, %dma_wait3A_196] : memref<3x200x128xf32, #tpu.memory_space<vmem>> -> memref<1x128x128xf32, #tpu.memory_space<vmem>>
    %dma_wait3A_198 = tpu.memref_squeeze %dma_wait3A_197 : memref<1x128x128xf32, #tpu.memory_space<vmem>> -> memref<128x128xf32, #tpu.memory_space<vmem>>
    %dma_wait3A_199 = arith.constant 0 : i32
    %dma_wait3A_200 = tpu.memref_slice %arg5[%dma_wait3A_193, %dma_wait3A_199] : memref<128x200xi32, #tpu.memory_space<vmem>> -> memref<1x128xi32, #tpu.memory_space<vmem>>
    %dma_wait3A_201 = tpu.memref_squeeze %dma_wait3A_200 : memref<1x128xi32, #tpu.memory_space<vmem>> -> memref<128xi32, #tpu.memory_space<vmem>>
    %dma_wait3A_202 = arith.constant 0 : i32
    %dma_wait3A_203 = arith.constant 0 : i32
    %dma_wait3A_204 = tpu.memref_slice %arg3[%dma_wait3A_202, %dma_wait3A_203] : memref<100000x128xf32, #tpu.memory_space<hbm>> -> memref<100000x128xf32, #tpu.memory_space<hbm>>
    tpu.wait_indirect_dma semaphore(%arg9 : memref<!tpu.dma_semaphore, #tpu.memory_space<semaphore_mem>>) src(%dma_wait3A_204 : memref<100000x128xf32, #tpu.memory_space<hbm>>) dst(%dma_wait3A_198 : memref<128x128xf32, #tpu.memory_space<vmem>>)
    %get3A_205 = arith.constant 1 : i32
    %get3A_206 = arith.constant 0 : i32
    %get3A_207 = arith.index_cast %get3A_205 : i32 to index
    %get3A_208 = arith.index_cast %get3A_206 : i32 to index
    %get3A_209 = arith.constant 0 : index
    %get3A_210 = tpu.vector_load %arg6[%get3A_207, %get3A_208, %get3A_209] {strides = array<i32>} : memref<3x200x128xf32, #tpu.memory_space<vmem>>, vector<1x1x16xf32>,
    %get3A_211 = vector.shape_cast %get3A_210 : vector<1x1x16xf32> to vector<16xf32>
    %get3A_212 = arith.constant 1 : i32
    %get3A_213 = arith.constant 0 : i32
    %get3A_214 = arith.index_cast %get3A_212 : i32 to index
    %get3A_215 = arith.index_cast %get3A_213 : i32 to index
    %get3A_216 = arith.constant 16 : index
    %get3A_217 = tpu.vector_load %arg6[%get3A_214, %get3A_215, %get3A_216] {strides = array<i32>} : memref<3x200x128xf32, #tpu.memory_space<vmem>>, vector<1x1x16xf32>,
    %get3A_218 = vector.shape_cast %get3A_217 : vector<1x1x16xf32> to vector<16xf32>
    %get3A_219 = arith.constant 1 : i32
    %get3A_220 = arith.constant 0 : i32
    %get3A_221 = arith.index_cast %get3A_219 : i32 to index
    %get3A_222 = arith.index_cast %get3A_220 : i32 to index
    %get3A_223 = arith.constant 32 : index
    %get3A_224 = tpu.vector_load %arg6[%get3A_221, %get3A_222, %get3A_223] {strides = array<i32>} : memref<3x200x128xf32, #tpu.memory_space<vmem>>, vector<1x1x16xf32>,
    %get3A_225 = vector.shape_cast %get3A_224 : vector<1x1x16xf32> to vector<16xf32>
    %get3A_226 = arith.constant 1 : i32
    %get3A_227 = arith.constant 0 : i32
    %get3A_228 = arith.index_cast %get3A_226 : i32 to index
    %get3A_229 = arith.index_cast %get3A_227 : i32 to index
    %get3A_230 = arith.constant 48 : index
    %get3A_231 = tpu.vector_load %arg6[%get3A_228, %get3A_229, %get3A_230] {strides = array<i32>} : memref<3x200x128xf32, #tpu.memory_space<vmem>>, vector<1x1x16xf32>,
    %get3A_232 = vector.shape_cast %get3A_231 : vector<1x1x16xf32> to vector<16xf32>
    %get3A_233 = arith.constant 1 : i32
    %get3A_234 = arith.constant 0 : i32
    %get3A_235 = arith.index_cast %get3A_233 : i32 to index
    %get3A_236 = arith.index_cast %get3A_234 : i32 to index
    %get3A_237 = arith.constant 64 : index
    %get3A_238 = tpu.vector_load %arg6[%get3A_235, %get3A_236, %get3A_237] {strides = array<i32>} : memref<3x200x128xf32, #tpu.memory_space<vmem>>, vector<1x1x16xf32>,
    %get3A_239 = vector.shape_cast %get3A_238 : vector<1x1x16xf32> to vector<16xf32>
    %get3A_240 = arith.constant 1 : i32
    %get3A_241 = arith.constant 0 : i32
    %get3A_242 = arith.index_cast %get3A_240 : i32 to index
    %get3A_243 = arith.index_cast %get3A_241 : i32 to index
    %get3A_244 = arith.constant 80 : index
    %get3A_245 = tpu.vector_load %arg6[%get3A_242, %get3A_243, %get3A_244] {strides = array<i32>} : memref<3x200x128xf32, #tpu.memory_space<vmem>>, vector<1x1x16xf32>,
    %get3A_246 = vector.shape_cast %get3A_245 : vector<1x1x16xf32> to vector<16xf32>
    %get3A_247 = arith.constant 1 : i32
    %get3A_248 = arith.constant 0 : i32
    %get3A_249 = arith.index_cast %get3A_247 : i32 to index
    %get3A_250 = arith.index_cast %get3A_248 : i32 to index
    %get3A_251 = arith.constant 96 : index
    %get3A_252 = tpu.vector_load %arg6[%get3A_249, %get3A_250, %get3A_251] {strides = array<i32>} : memref<3x200x128xf32, #tpu.memory_space<vmem>>, vector<1x1x16xf32>,
    %get3A_253 = vector.shape_cast %get3A_252 : vector<1x1x16xf32> to vector<16xf32>
    %get3A_254 = arith.constant 1 : i32
    %get3A_255 = arith.constant 0 : i32
    %get3A_256 = arith.index_cast %get3A_254 : i32 to index
    %get3A_257 = arith.index_cast %get3A_255 : i32 to index
    %get3A_258 = arith.constant 112 : index
    %get3A_259 = tpu.vector_load %arg6[%get3A_256, %get3A_257, %get3A_258] {strides = array<i32>} : memref<3x200x128xf32, #tpu.memory_space<vmem>>, vector<1x1x16xf32>,
    %get3A_260 = vector.shape_cast %get3A_259 : vector<1x1x16xf32> to vector<16xf32>
    %scan3A_261 = arith.constant 1 : i32
    %scan3A_262 = arith.constant 127 : i32
    %scan3A_263 = arith.addi %scan3A_261, %scan3A_262 : i32
    %scan3A_264 = arith.constant 1 : i32
    %scan3A_265:8 = scf.for %scan3A_333 = %scan3A_261 to %scan3A_263 step %scan3A_264 iter_args(%scan3A_334 = %get3A_211, %scan3A_335 = %get3A_218, %scan3A_336 = %get3A_225, %scan3A_337 = %get3A_232, %scan3A_338 = %get3A_239, %scan3A_339 = %get3A_246, %scan3A_340 = %get3A_253, %scan3A_341 = %get3A_260) -> (vector<16xf32>, vector<16xf32>, vector<16xf32>, vector<16xf32>, vector<16xf32>, vector<16xf32>, vector<16xf32>, vector<16xf32>)  : i32 {
      %get3A_342 = arith.constant 1 : i32
      %get3A_343 = arith.index_cast %get3A_342 : i32 to index
      %get3A_344 = arith.index_cast %scan3A_333 : i32 to index
      %get3A_345 = arith.constant 0 : index
      %get3A_346 = tpu.vector_load %arg6[%get3A_343, %get3A_344, %get3A_345] {strides = array<i32>} : memref<3x200x128xf32, #tpu.memory_space<vmem>>, vector<1x1x16xf32>,
      %get3A_347 = vector.shape_cast %get3A_346 : vector<1x1x16xf32> to vector<16xf32>
      %max3A = arith.maximumf %scan3A_334, %get3A_347 : vector<16xf32>
      %get3A_348 = arith.constant 1 : i32
      %get3A_349 = arith.index_cast %get3A_348 : i32 to index
      %get3A_350 = arith.index_cast %scan3A_333 : i32 to index
      %get3A_351 = arith.constant 16 : index
      %get3A_352 = tpu.vector_load %arg6[%get3A_349, %get3A_350, %get3A_351] {strides = array<i32>} : memref<3x200x128xf32, #tpu.memory_space<vmem>>, vector<1x1x16xf32>,
      %get3A_353 = vector.shape_cast %get3A_352 : vector<1x1x16xf32> to vector<16xf32>
      %max3A_354 = arith.maximumf %scan3A_335, %get3A_353 : vector<16xf32>
      %get3A_355 = arith.constant 1 : i32
      %get3A_356 = arith.index_cast %get3A_355 : i32 to index
      %get3A_357 = arith.index_cast %scan3A_333 : i32 to index
      %get3A_358 = arith.constant 32 : index
      %get3A_359 = tpu.vector_load %arg6[%get3A_356, %get3A_357, %get3A_358] {strides = array<i32>} : memref<3x200x128xf32, #tpu.memory_space<vmem>>, vector<1x1x16xf32>,
      %get3A_360 = vector.shape_cast %get3A_359 : vector<1x1x16xf32> to vector<16xf32>
      %max3A_361 = arith.maximumf %scan3A_336, %get3A_360 : vector<16xf32>
      %get3A_362 = arith.constant 1 : i32
      %get3A_363 = arith.index_cast %get3A_362 : i32 to index
      %get3A_364 = arith.index_cast %scan3A_333 : i32 to index
      %get3A_365 = arith.constant 48 : index
      %get3A_366 = tpu.vector_load %arg6[%get3A_363, %get3A_364, %get3A_365] {strides = array<i32>} : memref<3x200x128xf32, #tpu.memory_space<vmem>>, vector<1x1x16xf32>,
      %get3A_367 = vector.shape_cast %get3A_366 : vector<1x1x16xf32> to vector<16xf32>
      %max3A_368 = arith.maximumf %scan3A_337, %get3A_367 : vector<16xf32>
      %get3A_369 = arith.constant 1 : i32
      %get3A_370 = arith.index_cast %get3A_369 : i32 to index
      %get3A_371 = arith.index_cast %scan3A_333 : i32 to index
      %get3A_372 = arith.constant 64 : index
      %get3A_373 = tpu.vector_load %arg6[%get3A_370, %get3A_371, %get3A_372] {strides = array<i32>} : memref<3x200x128xf32, #tpu.memory_space<vmem>>, vector<1x1x16xf32>,
      %get3A_374 = vector.shape_cast %get3A_373 : vector<1x1x16xf32> to vector<16xf32>
      %max3A_375 = arith.maximumf %scan3A_338, %get3A_374 : vector<16xf32>
      %get3A_376 = arith.constant 1 : i32
      %get3A_377 = arith.index_cast %get3A_376 : i32 to index
      %get3A_378 = arith.index_cast %scan3A_333 : i32 to index
      %get3A_379 = arith.constant 80 : index
      %get3A_380 = tpu.vector_load %arg6[%get3A_377, %get3A_378, %get3A_379] {strides = array<i32>} : memref<3x200x128xf32, #tpu.memory_space<vmem>>, vector<1x1x16xf32>,
      %get3A_381 = vector.shape_cast %get3A_380 : vector<1x1x16xf32> to vector<16xf32>
      %max3A_382 = arith.maximumf %scan3A_339, %get3A_381 : vector<16xf32>
      %get3A_383 = arith.constant 1 : i32
      %get3A_384 = arith.index_cast %get3A_383 : i32 to index
      %get3A_385 = arith.index_cast %scan3A_333 : i32 to index
      %get3A_386 = arith.constant 96 : index
      %get3A_387 = tpu.vector_load %arg6[%get3A_384, %get3A_385, %get3A_386] {strides = array<i32>} : memref<3x200x128xf32, #tpu.memory_space<vmem>>, vector<1x1x16xf32>,
      %get3A_388 = vector.shape_cast %get3A_387 : vector<1x1x16xf32> to vector<16xf32>
      %max3A_389 = arith.maximumf %scan3A_340, %get3A_388 : vector<16xf32>
      %get3A_390 = arith.constant 1 : i32
      %get3A_391 = arith.index_cast %get3A_390 : i32 to index
      %get3A_392 = arith.index_cast %scan3A_333 : i32 to index
      %get3A_393 = arith.constant 112 : index
      %get3A_394 = tpu.vector_load %arg6[%get3A_391, %get3A_392, %get3A_393] {strides = array<i32>} : memref<3x200x128xf32, #tpu.memory_space<vmem>>, vector<1x1x16xf32>,
      %get3A_395 = vector.shape_cast %get3A_394 : vector<1x1x16xf32> to vector<16xf32>
      %max3A_396 = arith.maximumf %scan3A_341, %get3A_395 : vector<16xf32>
      scf.yield %max3A, %max3A_354, %max3A_361, %max3A_368, %max3A_375, %max3A_382, %max3A_389, %max3A_396 : vector<16xf32>, vector<16xf32>, vector<16xf32>, vector<16xf32>, vector<16xf32>, vector<16xf32>, vector<16xf32>, vector<16xf32>
    }
    %scan3A_266 = arith.constant 127 : i32
    %dma_wait3A_267 = arith.constant 127 : i32
    %dma_wait3A_268 = arith.constant 1 : i32
    %dma_wait3A_269 = arith.constant 128 : i32
    %dma_wait3A_270 = arith.constant 0 : i32
    %dma_wait3A_271 = tpu.memref_slice %arg6[%dma_wait3A_268, %dma_wait3A_269, %dma_wait3A_270] : memref<3x200x128xf32, #tpu.memory_space<vmem>> -> memref<1x72x128xf32, #tpu.memory_space<vmem>>
    %dma_wait3A_272 = tpu.memref_squeeze %dma_wait3A_271 : memref<1x72x128xf32, #tpu.memory_space<vmem>> -> memref<72x128xf32, #tpu.memory_space<vmem>>
    %dma_wait3A_273 = arith.constant 128 : i32
    %dma_wait3A_274 = tpu.memref_slice %arg5[%dma_wait3A_267, %dma_wait3A_273] : memref<128x200xi32, #tpu.memory_space<vmem>> -> memref<1x72xi32, #tpu.memory_space<vmem>>
    %dma_wait3A_275 = tpu.memref_squeeze %dma_wait3A_274 : memref<1x72xi32, #tpu.memory_space<vmem>> -> memref<72xi32, #tpu.memory_space<vmem>>
    %dma_wait3A_276 = arith.constant 0 : i32
    %dma_wait3A_277 = arith.constant 0 : i32
    %dma_wait3A_278 = tpu.memref_slice %arg3[%dma_wait3A_276, %dma_wait3A_277] : memref<100000x128xf32, #tpu.memory_space<hbm>> -> memref<100000x128xf32, #tpu.memory_space<hbm>>
    tpu.wait_indirect_dma semaphore(%arg12 : memref<!tpu.dma_semaphore, #tpu.memory_space<semaphore_mem>>) src(%dma_wait3A_278 : memref<100000x128xf32, #tpu.memory_space<hbm>>) dst(%dma_wait3A_272 : memref<72x128xf32, #tpu.memory_space<vmem>>)
    %scan3A_279 = arith.constant 128 : i32
    %scan3A_280 = arith.constant 72 : i32
    %scan3A_281 = arith.addi %scan3A_279, %scan3A_280 : i32
    %scan3A_282 = arith.constant 1 : i32
    %scan3A_283:8 = scf.for %scan3A_333 = %scan3A_279 to %scan3A_281 step %scan3A_282 iter_args(%scan3A_334 = %scan3A_265#0, %scan3A_335 = %scan3A_265#1, %scan3A_336 = %scan3A_265#2, %scan3A_337 = %scan3A_265#3, %scan3A_338 = %scan3A_265#4, %scan3A_339 = %scan3A_265#5, %scan3A_340 = %scan3A_265#6, %scan3A_341 = %scan3A_265#7) -> (vector<16xf32>, vector<16xf32>, vector<16xf32>, vector<16xf32>, vector<16xf32>, vector<16xf32>, vector<16xf32>, vector<16xf32>)  : i32 {
      %get3A_342 = arith.constant 1 : i32
      %get3A_343 = arith.index_cast %get3A_342 : i32 to index
      %get3A_344 = arith.index_cast %scan3A_333 : i32 to index
      %get3A_345 = arith.constant 0 : index
      %get3A_346 = tpu.vector_load %arg6[%get3A_343, %get3A_344, %get3A_345] {strides = array<i32>} : memref<3x200x128xf32, #tpu.memory_space<vmem>>, vector<1x1x16xf32>,
      %get3A_347 = vector.shape_cast %get3A_346 : vector<1x1x16xf32> to vector<16xf32>
      %max3A = arith.maximumf %scan3A_334, %get3A_347 : vector<16xf32>
      %get3A_348 = arith.constant 1 : i32
      %get3A_349 = arith.index_cast %get3A_348 : i32 to index
      %get3A_350 = arith.index_cast %scan3A_333 : i32 to index
      %get3A_351 = arith.constant 16 : index
      %get3A_352 = tpu.vector_load %arg6[%get3A_349, %get3A_350, %get3A_351] {strides = array<i32>} : memref<3x200x128xf32, #tpu.memory_space<vmem>>, vector<1x1x16xf32>,
      %get3A_353 = vector.shape_cast %get3A_352 : vector<1x1x16xf32> to vector<16xf32>
      %max3A_354 = arith.maximumf %scan3A_335, %get3A_353 : vector<16xf32>
      %get3A_355 = arith.constant 1 : i32
      %get3A_356 = arith.index_cast %get3A_355 : i32 to index
      %get3A_357 = arith.index_cast %scan3A_333 : i32 to index
      %get3A_358 = arith.constant 32 : index
      %get3A_359 = tpu.vector_load %arg6[%get3A_356, %get3A_357, %get3A_358] {strides = array<i32>} : memref<3x200x128xf32, #tpu.memory_space<vmem>>, vector<1x1x16xf32>,
      %get3A_360 = vector.shape_cast %get3A_359 : vector<1x1x16xf32> to vector<16xf32>
      %max3A_361 = arith.maximumf %scan3A_336, %get3A_360 : vector<16xf32>
      %get3A_362 = arith.constant 1 : i32
      %get3A_363 = arith.index_cast %get3A_362 : i32 to index
      %get3A_364 = arith.index_cast %scan3A_333 : i32 to index
      %get3A_365 = arith.constant 48 : index
      %get3A_366 = tpu.vector_load %arg6[%get3A_363, %get3A_364, %get3A_365] {strides = array<i32>} : memref<3x200x128xf32, #tpu.memory_space<vmem>>, vector<1x1x16xf32>,
      %get3A_367 = vector.shape_cast %get3A_366 : vector<1x1x16xf32> to vector<16xf32>
      %max3A_368 = arith.maximumf %scan3A_337, %get3A_367 : vector<16xf32>
      %get3A_369 = arith.constant 1 : i32
      %get3A_370 = arith.index_cast %get3A_369 : i32 to index
      %get3A_371 = arith.index_cast %scan3A_333 : i32 to index
      %get3A_372 = arith.constant 64 : index
      %get3A_373 = tpu.vector_load %arg6[%get3A_370, %get3A_371, %get3A_372] {strides = array<i32>} : memref<3x200x128xf32, #tpu.memory_space<vmem>>, vector<1x1x16xf32>,
      %get3A_374 = vector.shape_cast %get3A_373 : vector<1x1x16xf32> to vector<16xf32>
      %max3A_375 = arith.maximumf %scan3A_338, %get3A_374 : vector<16xf32>
      %get3A_376 = arith.constant 1 : i32
      %get3A_377 = arith.index_cast %get3A_376 : i32 to index
      %get3A_378 = arith.index_cast %scan3A_333 : i32 to index
      %get3A_379 = arith.constant 80 : index
      %get3A_380 = tpu.vector_load %arg6[%get3A_377, %get3A_378, %get3A_379] {strides = array<i32>} : memref<3x200x128xf32, #tpu.memory_space<vmem>>, vector<1x1x16xf32>,
      %get3A_381 = vector.shape_cast %get3A_380 : vector<1x1x16xf32> to vector<16xf32>
      %max3A_382 = arith.maximumf %scan3A_339, %get3A_381 : vector<16xf32>
      %get3A_383 = arith.constant 1 : i32
      %get3A_384 = arith.index_cast %get3A_383 : i32 to index
      %get3A_385 = arith.index_cast %scan3A_333 : i32 to index
      %get3A_386 = arith.constant 96 : index
      %get3A_387 = tpu.vector_load %arg6[%get3A_384, %get3A_385, %get3A_386] {strides = array<i32>} : memref<3x200x128xf32, #tpu.memory_space<vmem>>, vector<1x1x16xf32>,
      %get3A_388 = vector.shape_cast %get3A_387 : vector<1x1x16xf32> to vector<16xf32>
      %max3A_389 = arith.maximumf %scan3A_340, %get3A_388 : vector<16xf32>
      %get3A_390 = arith.constant 1 : i32
      %get3A_391 = arith.index_cast %get3A_390 : i32 to index
      %get3A_392 = arith.index_cast %scan3A_333 : i32 to index
      %get3A_393 = arith.constant 112 : index
      %get3A_394 = tpu.vector_load %arg6[%get3A_391, %get3A_392, %get3A_393] {strides = array<i32>} : memref<3x200x128xf32, #tpu.memory_space<vmem>>, vector<1x1x16xf32>,
      %get3A_395 = vector.shape_cast %get3A_394 : vector<1x1x16xf32> to vector<16xf32>
      %max3A_396 = arith.maximumf %scan3A_341, %get3A_395 : vector<16xf32>
      scf.yield %max3A, %max3A_354, %max3A_361, %max3A_368, %max3A_375, %max3A_382, %max3A_389, %max3A_396 : vector<16xf32>, vector<16xf32>, vector<16xf32>, vector<16xf32>, vector<16xf32>, vector<16xf32>, vector<16xf32>, vector<16xf32>
    }
    %scan3A_284 = arith.constant 72 : i32
    %swap3A_285 = arith.constant 127 : i32
    %swap3A_286 = arith.index_cast %swap3A_285 : i32 to index
    %swap3A_287 = arith.constant 0 : index
    %swap3A_288 = tpu.vector_load %arg7[%swap3A_286, %swap3A_287] {strides = array<i32>} : memref<128x128xf32, #tpu.memory_space<vmem>>, vector<1x16xf32>,
    %swap3A_289 = vector.shape_cast %swap3A_288 : vector<1x16xf32> to vector<16xf32>
    %swap3A_290 = vector.shape_cast %scan3A_283#0 : vector<16xf32> to vector<1x16xf32>
    tpu.vector_store %arg7[%swap3A_286, %swap3A_287], %swap3A_290 {strides = array<i32>} : memref<128x128xf32, #tpu.memory_space<vmem>>, vector<1x16xf32>,
    %swap3A_291 = arith.constant 127 : i32
    %swap3A_292 = arith.index_cast %swap3A_291 : i32 to index
    %swap3A_293 = arith.constant 16 : index
    %swap3A_294 = tpu.vector_load %arg7[%swap3A_292, %swap3A_293] {strides = array<i32>} : memref<128x128xf32, #tpu.memory_space<vmem>>, vector<1x16xf32>,
    %swap3A_295 = vector.shape_cast %swap3A_294 : vector<1x16xf32> to vector<16xf32>
    %swap3A_296 = vector.shape_cast %scan3A_283#1 : vector<16xf32> to vector<1x16xf32>
    tpu.vector_store %arg7[%swap3A_292, %swap3A_293], %swap3A_296 {strides = array<i32>} : memref<128x128xf32, #tpu.memory_space<vmem>>, vector<1x16xf32>,
    %swap3A_297 = arith.constant 127 : i32
    %swap3A_298 = arith.index_cast %swap3A_297 : i32 to index
    %swap3A_299 = arith.constant 32 : index
    %swap3A_300 = tpu.vector_load %arg7[%swap3A_298, %swap3A_299] {strides = array<i32>} : memref<128x128xf32, #tpu.memory_space<vmem>>, vector<1x16xf32>,
    %swap3A_301 = vector.shape_cast %swap3A_300 : vector<1x16xf32> to vector<16xf32>
    %swap3A_302 = vector.shape_cast %scan3A_283#2 : vector<16xf32> to vector<1x16xf32>
    tpu.vector_store %arg7[%swap3A_298, %swap3A_299], %swap3A_302 {strides = array<i32>} : memref<128x128xf32, #tpu.memory_space<vmem>>, vector<1x16xf32>,
    %swap3A_303 = arith.constant 127 : i32
    %swap3A_304 = arith.index_cast %swap3A_303 : i32 to index
    %swap3A_305 = arith.constant 48 : index
    %swap3A_306 = tpu.vector_load %arg7[%swap3A_304, %swap3A_305] {strides = array<i32>} : memref<128x128xf32, #tpu.memory_space<vmem>>, vector<1x16xf32>,
    %swap3A_307 = vector.shape_cast %swap3A_306 : vector<1x16xf32> to vector<16xf32>
    %swap3A_308 = vector.shape_cast %scan3A_283#3 : vector<16xf32> to vector<1x16xf32>
    tpu.vector_store %arg7[%swap3A_304, %swap3A_305], %swap3A_308 {strides = array<i32>} : memref<128x128xf32, #tpu.memory_space<vmem>>, vector<1x16xf32>,
    %swap3A_309 = arith.constant 127 : i32
    %swap3A_310 = arith.index_cast %swap3A_309 : i32 to index
    %swap3A_311 = arith.constant 64 : index
    %swap3A_312 = tpu.vector_load %arg7[%swap3A_310, %swap3A_311] {strides = array<i32>} : memref<128x128xf32, #tpu.memory_space<vmem>>, vector<1x16xf32>,
    %swap3A_313 = vector.shape_cast %swap3A_312 : vector<1x16xf32> to vector<16xf32>
    %swap3A_314 = vector.shape_cast %scan3A_283#4 : vector<16xf32> to vector<1x16xf32>
    tpu.vector_store %arg7[%swap3A_310, %swap3A_311], %swap3A_314 {strides = array<i32>} : memref<128x128xf32, #tpu.memory_space<vmem>>, vector<1x16xf32>,
    %swap3A_315 = arith.constant 127 : i32
    %swap3A_316 = arith.index_cast %swap3A_315 : i32 to index
    %swap3A_317 = arith.constant 80 : index
    %swap3A_318 = tpu.vector_load %arg7[%swap3A_316, %swap3A_317] {strides = array<i32>} : memref<128x128xf32, #tpu.memory_space<vmem>>, vector<1x16xf32>,
    %swap3A_319 = vector.shape_cast %swap3A_318 : vector<1x16xf32> to vector<16xf32>
    %swap3A_320 = vector.shape_cast %scan3A_283#5 : vector<16xf32> to vector<1x16xf32>
    tpu.vector_store %arg7[%swap3A_316, %swap3A_317], %swap3A_320 {strides = array<i32>} : memref<128x128xf32, #tpu.memory_space<vmem>>, vector<1x16xf32>,
    %swap3A_321 = arith.constant 127 : i32
    %swap3A_322 = arith.index_cast %swap3A_321 : i32 to index
    %swap3A_323 = arith.constant 96 : index
    %swap3A_324 = tpu.vector_load %arg7[%swap3A_322, %swap3A_323] {strides = array<i32>} : memref<128x128xf32, #tpu.memory_space<vmem>>, vector<1x16xf32>,
    %swap3A_325 = vector.shape_cast %swap3A_324 : vector<1x16xf32> to vector<16xf32>
    %swap3A_326 = vector.shape_cast %scan3A_283#6 : vector<16xf32> to vector<1x16xf32>
    tpu.vector_store %arg7[%swap3A_322, %swap3A_323], %swap3A_326 {strides = array<i32>} : memref<128x128xf32, #tpu.memory_space<vmem>>, vector<1x16xf32>,
    %swap3A_327 = arith.constant 127 : i32
    %swap3A_328 = arith.index_cast %swap3A_327 : i32 to index
    %swap3A_329 = arith.constant 112 : index
    %swap3A_330 = tpu.vector_load %arg7[%swap3A_328, %swap3A_329] {strides = array<i32>} : memref<128x128xf32, #tpu.memory_space<vmem>>, vector<1x16xf32>,
    %swap3A_331 = vector.shape_cast %swap3A_330 : vector<1x16xf32> to vector<16xf32>
    %swap3A_332 = vector.shape_cast %scan3A_283#7 : vector<16xf32> to vector<1x16xf32>
    tpu.vector_store %arg7[%swap3A_328, %swap3A_329], %swap3A_332 {strides = array<i32>} : memref<128x128xf32, #tpu.memory_space<vmem>>, vector<1x16xf32>,
    "tpu.region"() ({
      %run_scoped3A = tpu.sem_alloc : memref<!tpu.dma_semaphore, #tpu.memory_space<semaphore_mem>>
      %dma_start3A_333 = arith.constant 0 : i32
      %dma_start3A_334 = tpu.memref_slice %arg4[%mul3A_2, %dma_start3A_333] : memref<4096x128xf32, #tpu.memory_space<hbm>> -> memref<128x128xf32, #tpu.memory_space<hbm>>
      %dma_start3A_335 = arith.constant 0 : i32
      %dma_start3A_336 = tpu.memref_slice %arg4[%mul3A_2, %dma_start3A_335] : memref<4096x128xf32, #tpu.memory_space<hbm>> -> memref<128x128xf32, #tpu.memory_space<hbm>>
      tpu.enqueue_dma source(%arg7 : memref<128x128xf32, #tpu.memory_space<vmem>>) target(%dma_start3A_336 : memref<128x128xf32, #tpu.memory_space<hbm>>) target_semaphore(%run_scoped3A : memref<!tpu.dma_semaphore, #tpu.memory_space<semaphore_mem>>)
      %dma_wait3A_337 = arith.constant 0 : i32
      %dma_wait3A_338 = tpu.memref_slice %arg4[%mul3A_2, %dma_wait3A_337] : memref<4096x128xf32, #tpu.memory_space<hbm>> -> memref<128x128xf32, #tpu.memory_space<hbm>>
      %dma_wait3A_339 = arith.constant 0 : i32
      %dma_wait3A_340 = tpu.memref_slice %arg4[%mul3A_2, %dma_wait3A_339] : memref<4096x128xf32, #tpu.memory_space<hbm>> -> memref<128x128xf32, #tpu.memory_space<hbm>>
      tpu.wait_dma2 semaphore(%run_scoped3A : memref<!tpu.dma_semaphore, #tpu.memory_space<semaphore_mem>>) src(%arg7 : memref<128x128xf32, #tpu.memory_space<vmem>>) dst(%dma_wait3A_340 : memref<128x128xf32, #tpu.memory_space<hbm>>)
      tpu.yield
    }) : () -> ()
    return
  }
}

</mosaic_0001>

<sc_bundles>
// kernel: kernel.3.cloned.1.call-start
scs
__scs_entry_jumppad:
0x0: {  	(pc) =	sbr.rel $0x88, $3  }
0x1: {  	(tag) =	ssettag $0x0;
	lr =	simm.s32 $0x1  }
0x2: {  	[smem:$0x3F9F] =	sst lr;
	_ =	strace $0xD0000000  }
0x3: {  	_ = 	snop  }
0x4: {  	_ = 	snop  }
0x5: {  	_ = 	snop  }
0x6: {  	_ = 	snop  }
0x7: {  	_ = 	snop  }
__scs_overlays_trampoline_lowered:
0x8: {  	[smem:$0x3FAE] =	sst s0  }
0x9: {  	[smem:$0x3FAF] =	sst s1  }
0xa: {  	[smem:$0x3FB0] =	sst s2  }
0xb: {  	[smem:$0x3FB1] =	sst s3  }
0xc: {  	[smem:$0x3FB2] =	sst s4  }
0xd: {  	[smem:$0x3FB3] =	sst s5  }
0xe: {  	[smem:$0x3FB4] =	sst s6  }
0xf: {  	[smem:$0x3FB5] =	sst s7  }
0x10: {  	[smem:$0x3FB6] =	sst s8  }
0x11: {  	[smem:$0x3FB7] =	sst s9;
	s0 =	simm.s32 @!p0 $0x0  }
0x12: {  	s1 =	sld [smem:$0x3F9D];
	s0 =	simm.s32 @p0 $0x1  }
0x13: {  	[smem:$0x3FB8] =	sst s0;
	s0 =	simm.s32 @!p1 $0x0  }
0x14: {  	s2 =	sld [smem:$0x3F9C];
	s0 =	simm.s32 @p1 $0x1  }
0x15: {  	[smem:$0x3FB9] =	sst s0;
	s0 =	simm.s32 @!p2 $0x0  }
0x16: {  	s3 =	sld [smem:$0x3FDB];
	s0 =	simm.s32 @p2 $0x1  }
0x17: {  	s4 =	simm.s32 $0x1BF5;
	[smem:$0x3FBB] =	sst s0  }
0x18: {  	s0 =	sld [smem:$0x3F9E];
	_ =	swait.ge [sflag:s4], $0x0  }
0x19: {  	s7 =	sld [smem:$0x3F9F]  }
0x1a: {  	s8 =	sadd.s32 $0xFFFFE003, lr  }
0x1b: {  	s9 =	sadd.s32 $0xFFFFFEF7, lr;
	s5 =	simm.s32 $0xFFFFFFFF;
	p2 =	slt.u32 s8, $0xFFFFF086  }
0x1c: {  	p1 =	slt.u32 s9, $0xF7A;
	s5 =	simm.s32 @!p2 $0x0  }
0x1d: {  	s5 =	simm.s32 @p1 $0x1;
	p0 =	seq.s32 s7, s2  }
0x1e: {  	s7 =	smul.u32 @!p0 $0xF7A, s2;
	p2 =	seq.s32 @!p0 s5, $0x0  }
0x1f: {  	s9 =	smul.u32 $0xF7A, s1;
	s8 =	simm.s32 @!p0 $0x1BF5;
	p2 =	por !p2, p0  }
0x20: {  	[sflag:s8] =	ssyncset.s32 @!p0 $0xFFFFF086;
	s6 =	sadd.s32 @!p0 s3, s7;
	s7 =	simm.s32 @!p0 $0x108  }
0x21: {  	s3 =	sadd.s32 s3, s9;
	s6 =	sadd.s32 @!p0 $0x88, s6;
	s7 =	simm.s32 @p2 $0x1082  }
0x22: {  	[simem:s7], [sflag:s8] =	dma.local @!p0 [hbm:s6], $0xF7A  }
0x23: {  	s9 =	sor.u32 $0xD0000000, s2;
	s6 =	simm.s32 $0x108;
	_ =	swait.ge @!p0 [sflag:s8], $0x0  }
0x24: {  	s3 =	sadd.s32 $0x88, s3;
	s6 =	simm.s32 @!p1 $0x1082;
	[sflag:s4] =	ssyncset.s32 $0xFFFFF086  }
0x25: {  	[simem:s6], [sflag:s4] =	dma.local [hbm:s3], $0xF7A  }
0x26: {  	[smem:$0x3F9F] =	sst s1;
	(tag) =	ssettag s2;
	_ =	strace s9  }
0x27: {  	s1 =	sld [smem:$0x3FAF]  }
0x28: {  	s2 =	sld [smem:$0x3FB0]  }
0x29: {  	s4 =	sld [smem:$0x3FB2]  }
0x2a: {  	p0 =	seq.s32 s5, $0x0;
	s5 =	sld [smem:$0x3FB3]  }
0x2b: {  	s6 =	sld [smem:$0x3FB4]  }
0x2c: {  	s7 =	sld [smem:$0x3FB5]  }
0x2d: {  	s3 =	simm.s32 $0x108;
	s8 =	sld [smem:$0x3FB6]  }
0x2e: {  	s3 =	simm.s32 @!p0 $0x1082;
	s9 =	sld [smem:$0x3FB7]  }
0x2f: {  	lr =	sadd.s32 s0, s3;
	s0 =	sld [smem:$0x3FAE]  }
0x30: {  	s3 =	sld [smem:$0x3FB1]  }
0x31: {  	[smem:$0x3FBA] =	sst s10  }
0x32: {  	s10 =	sld [smem:$0x3FB8];
	_ =	sdelay $0x3  }
0x33: {  	p0 =	seq.s32 s10, $0x1;
	s10 =	sld [smem:$0x3FBA];
	_ =	sdelay $0x3  }
0x34: {  	[smem:$0x3FBA] =	sst s10  }
0x35: {  	s10 =	sld [smem:$0x3FB9];
	_ =	sdelay $0x3  }
0x36: {  	p1 =	seq.s32 s10, $0x1;
	s10 =	sld [smem:$0x3FBA];
	_ =	sdelay $0x3  }
0x37: {  	[smem:$0x3FBA] =	sst s10  }
0x38: {  	s10 =	sld [smem:$0x3FBB]  }
0x39: {  	_ = 	snop;
	(pc) =	sbr.ind lr, $3  }
0x3a: {  	_ = 	snop  }
0x3b: {  	_ = 	snop  }
0x3c: {  	p2 =	seq.s32 s10, $0x1;
	s10 =	sld [smem:$0x3FBA]  }
0x3d: {  	_ =	shalt  }
0x3e: {  	_ =	shalt  }
0x3f: {  	_ =	shalt  }
0x40: {  	_ =	shalt  }
0x41: {  	_ =	shalt  }
0x42: {  	_ =	shalt  }
0x43: {  	_ =	shalt  }
0x44: {  	_ =	shalt  }
0x45: {  	_ =	shalt  }
0x46: {  	_ =	shalt  }
0x47: {  	_ =	shalt  }
0x48: {  	_ =	shalt  }
0x49: {  	_ =	shalt  }
0x4a: {  	_ =	shalt  }
0x4b: {  	_ =	shalt  }
0x4c: {  	_ =	shalt  }
0x4d: {  	_ =	shalt  }
0x4e: {  	_ =	shalt  }
0x4f: {  	_ =	shalt  }
0x50: {  	_ =	shalt  }
0x51: {  	_ =	shalt  }
0x52: {  	_ =	shalt  }
0x53: {  	_ =	shalt  }
0x54: {  	_ =	shalt  }
0x55: {  	_ =	shalt  }
0x56: {  	_ =	shalt  }
0x57: {  	_ =	shalt  }
0x58: {  	_ =	shalt  }
0x59: {  	_ =	shalt  }
0x5a: {  	_ =	shalt  }
0x5b: {  	_ =	shalt  }
0x5c: {  	_ =	shalt  }
0x5d: {  	_ =	shalt  }
0x5e: {  	_ =	shalt  }
0x5f: {  	_ =	shalt  }
0x60: {  	_ =	shalt  }
0x61: {  	_ =	shalt  }
0x62: {  	_ =	shalt  }
0x63: {  	_ =	shalt  }
0x64: {  	_ =	shalt  }
0x65: {  	_ =	shalt  }
0x66: {  	_ =	shalt  }
0x67: {  	_ =	shalt  }
0x68: {  	_ =	shalt  }
0x69: {  	_ =	shalt  }
0x6a: {  	_ =	shalt  }
0x6b: {  	_ =	shalt  }
0x6c: {  	_ =	shalt  }
0x6d: {  	_ =	shalt  }
0x6e: {  	_ =	shalt  }
0x6f: {  	_ =	shalt  }
0x70: {  	_ =	shalt  }
0x71: {  	_ =	shalt  }
0x72: {  	_ =	shalt  }
0x73: {  	_ =	shalt  }
0x74: {  	_ =	shalt  }
0x75: {  	_ =	shalt  }
0x76: {  	_ =	shalt  }
0x77: {  	_ =	shalt  }
0x78: {  	_ =	shalt  }
0x79: {  	_ =	shalt  }
0x7a: {  	_ =	shalt  }
0x7b: {  	_ =	shalt  }
0x7c: {  	_ =	shalt  }
0x7d: {  	_ =	shalt  }
0x7e: {  	_ =	shalt  }
0x7f: {  	_ =	shalt  }
0x80: {  	_ =	shalt  }
0x81: {  	_ =	shalt  }
0x82: {  	_ =	shalt  }
0x83: {  	_ =	shalt  }
0x84: {  	_ =	shalt  }
0x85: {  	_ =	shalt  }
0x86: {  	_ =	shalt  }
0x87: {  	_ =	shalt  }
.Lfunc_end0:
.L_simem_size_0:
called_computation_lowered:
.L_overlay_start_0:
0x88: {  	s2 =	sld [smem:$0x3FD9]  }
0x89: {  	s3 =	sld [smem:$0x3FFE];
	_ =	sdelay $0x1  }
0x8a: {  	s1 =	srdreg.scid  }
0x8b: {  	s0 =	sand.u32 $0x1, s1  }
0x8c: {  	s17 =	sshll.u32 s0, $0xA;
	s2 =	sadd.s32 s3, s2  }
0x8d: {  	s2 =	sadd.s32 s2, s17  }
0x8e: {  	[smem:$0x3FC6] =	sst s2  }
0x8f: {  	_ = 	snop  }
0x90: {  	s2 =	sld [smem:$0x3FC8]  }
0x91: {  	s18 =	sld [smem:$0x3FD0];
	(tm) =	ssettm $0x1  }
0x92: {  	s4 =	sld [smem:$0x3FFB];
	_ =	sdelay $0x3  }
0x93: {  	_ =	strace s4  }
0x94: {  	s4 =	sld [smem:$0x3FFC];
	_ =	sdelay $0x3  }
0x95: {  	_ =	strace s4  }
0x96: {  	s4 =	sld [smem:$0x3FFD];
	_ =	sdelay $0x3  }
0x97: {  	_ =	strace s4  }
0x98: {  	_ =	strace $0x8FFFFFFF  }
0x99: {  	s19 =	sld [smem:$0x3FDB];
	_ =	sdelay $0x1  }
0x9a: {  	s5 =	simm.s32 $_scs_section_size  }
0x9b: {  	s6 =	simm.s32 $_size__tile_overlayer_lowered;
	s7 =	simm.s32 $_tile_overlayer_lowered  }
0x9c: {  	s22 =	simm.s32 $0x1BFF;
	s21 =	sshll.u32 s7, $0x1;
	s4 =	sadd.s32 s5, s19  }
0x9d: {  	s8 =	simm.s32 $0x0;
	s20 =	sshll.u32 s6, $0x1;
	s6 =	sadd.s32 s21, s4  }
0x9e: {  	[timem:s8], [sflag:s22] =	dma.local [hbm:s6], s20  }
0x9f: {  	_ =	swait.ge [sflag:s22], s20  }
0xa0: {  	s5 =	ssub.s32 $0x0, s20;
	[sflag:s22] =	ssyncset.done $0x0  }
0xa1: {  	[sflag:s22] =	ssyncadd.s32 s5;
	_ =	sdelay $0x1  }
0xa2: {  	s23 =	simm.s32 $0x1B8B  }
0xa3: {  	_ =	swait.ge [sflag:s23], $0x1  }
0xa4: {  	[sflag:s23] =	ssyncset.done $0x0  }
0xa5: {  	s25 =	simm.s32 $0x1B8E;
	s24 =	sld [smem:$0x3FFE];
	[sflag:s23] =	ssyncadd.s32 $0xFFFFFFFF  }
0xa6: {  	s26 =	simm.s32 $execute0_lowered;
	[smem:$0x3FD2] =	sst s25  }
0xa7: {  	s6 =	sshll.u32 s26, $0x1;
	_ =	strace $0x80000046;
	[dreg:$0x1] =	wrdreg $0xFFFFFFFF  }
0xa8: {  	s28 =	simm.s32 $_size_execute0_lowered;
	s4 =	sadd.s32 s4, s6;
	[dreg:$0x0] =	wrdreg $0x0  }
0xa9: {  	s6 =	sshll.u32 s28, $0x1;
	[dreg:$0x2] =	wrdreg s4  }
0xaa: {  	[dreg:$0x3] =	wrdreg s6  }
0xab: {  	[dreg:$0x4] =	wrdreg $0xC0  }
0xac: {  	_ =	task [dreg:s8], $0x5FFFF  }
0xad: {  	[dreg:$0x1] =	wrdreg $0xFFFFFFFF  }
0xae: {  	[dreg:$0x0] =	wrdreg $0x60  }
0xaf: {  	[dreg:$0x2] =	wrdreg s24  }
0xb0: {  	[dreg:$0x3] =	wrdreg s2  }
0xb1: {  	[dreg:$0x4] =	wrdreg s18  }
0xb2: {  	[dreg:$0x5] =	wrdreg $0x9  }
0xb3: {  	_ =	task.clear_ibuf [dreg:s8], $0x6FFFF;
	_ =	strace $0x90000046  }
0xb4: {  	s29 =	simm.s32 $0x9;
	_ =	strace $0x80000048  }
0xb5: {  	_ =	swait.ge [sflag:s29], $0x1  }
0xb6: {  	[sflag:s29] =	ssyncadd.s32 $0xFFFFFFFF  }
0xb7: {  	_ =	strace $0x90000048  }
0xb8: {  	_ =	sfence  }
0xb9: {  	s30 =	sld [smem:$0x0];
	_ =	sdelay $0x2  }
0xba: {  	s31 =	sshll.u32 s1, $0xD;
	s1 =	sshrl.u32 s1, $0x2  }
0xbb: {  	s3 =	sand.u32 $0x4000, s31;
	s1 =	sadd.s32 s1, s30  }
0xbc: {  	s0 =	sor.u32 s3, s0;
	s1 =	sshll.u32 s1, $0x11  }
0xbd: {  	s0 =	sor.u32 s1, s0  }
0xbe: {  	s0 =	sadd.s32 $0x8F2B, s0  }
0xbf: {  	[sflag:s0] =	ssyncadd.remote.s32 $0x1  }
0xc0: {  	_ =	sfence.sel $0xFFFF  }
0xc1: {  	[dreg:$0x0] =	wrdreg $0xFFFFFFFF;
	(pc) =	sbr.abs _section_cstart, $3  }
0xc2: {  	[dreg:$0x1] =	wrdreg $0xFFFFFFFF  }
0xc3: {  	_ =	task.clear_ibuf [dreg:s8], $0x2FFFF;
	_ =	strace $0x9FFFFFFF  }
0xc4: {  	(tm) =	ssettm $0x7FFFFFFF  }
0xc5: {  	_ =	shalt  }
tec
execute0_lowered:
.L_overlay_start_1:
0x0: {  	(tag) =	ssettag $0x1  }
0x1: {  	s4 =	rddreg [dreg:$0x0];
	s1 =	srdreg.scid  }
0x2: {  	s2 =	rddreg [dreg:$0x1];
	s0 =	stileid.u32  }
0x3: {  	s6 =	rddreg [dreg:$0x2];
	s3 =	simm.s32 $0x0;
	s9 =	simm.s32 $0x8000  }
0x4: {  	s10 =	simm.s32 $0x48;
	s11 =	simm.s32 $0x400;
	s12 =	simm.s32 $0xC000  }
0x5: {  	s13 =	simm.s32 $0xE400;
	s14 =	simm.s32 $0x480;
	s15 =	simm.s32 $0x12400  }
0x6: {  	s16 =	simm.s32 $0x14800;
	s17 =	simm.s32 $0x18800;
	s18 =	simm.s32 $0x1  }
0x7: {  	s19 =	simm.s32 $0x4;
	s20 =	simm.s32 $0x2;
	s21 =	simm.s32 $0x5  }
0x8: {  	s22 =	simm.s32 $0x3;
	s23 =	simm.s32 $0x6;
	s24 =	simm.s32 $0x1AC00  }
0x9: {  	s25 =	simm.s32 $0x0;
	s5 =	sand.u32 $0x1, s1;
	s7 =	sshll.u32 s0, $0x8  }
0xa: {  	[smem:$0x7FF] =	sst s3;
	s8 =	sshll.u32 s5, $0x7;
	s5 =	ssub.s32 $0x2, s5  }
0xb: {  	_ =	strace $0x80000047;
	s7 =	sor.u32 s8, s7;
	s30 =	sshrl.u32 s5, $0x1  }
0xc: {  	s8 =	sshll.u32 s7, $0x5;
	s31 =	sshll.u32 s7, $0x4;
	s7 =	simm.s32 $0x7  }
0xd: {  	s4 =	sadd.s32 s8, s4;
	s8 =	ssub.s32 s5, s30;
	s5 =	sadd.s32 s6, s31  }
0xe: {  	s4 =	sadd.s32 $0x400, s4;
	s6 =	smax.u32 s8, $0x1;
	s8 =	simm.s32 $0x80  }
.LBB2_1:
0xf: {  	[tilespmem:s3], [sflag:$0x7] =	stream.linear.gather [hbm4b:s4+s3], $0x8000, $0x38;
	[tilespmem:$0x1EC00] =	vst v63  }
0x10: {  	_ =	swait.ge [sflag:s7], $0x8000  }
0x11: {  	[sflag:s7] =	ssyncset.done $0x0  }
0x12: {  	[sflag:s7] =	ssyncadd.s32 $0xFFFF8000  }
0x13: {  	[tilespmem:s9], [sflag:$0x1] =	stream.indirect.gather [hbm4b:s2+s8], $0x80, s3, s8, $0xb8;
	[tilespmem:$0x1EC00] =	vst v63  }
0x14: {  	_ = 	snop  }
0x15: {  	[tilespmem:s12], [sflag:$0x4] =	stream.indirect.gather [hbm4b:s2+s10], $0x80, s11, s10, $0xb8;
	[tilespmem:$0x1EC00] =	vst v63  }
0x16: {  	_ = 	snop  }
0x17: {  	[tilespmem:s13], [sflag:$0x2] =	stream.indirect.gather [hbm4b:s2+s8], $0x80, s8, s8, $0xb8;
	[tilespmem:$0x1EC00] =	vst v63  }
0x18: {  	s26 =	simm.s32 $0x0  }
0x19: {  	[tilespmem:s15], [sflag:$0x5] =	stream.indirect.gather [hbm4b:s2+s10], $0x80, s14, s10, $0xb8;
	[tilespmem:$0x1EC00] =	vst v63  }
.LBB2_2:
0x1a: {  	s29 =	smul.u32 $0x3, s26;
	_ =	sdelay $0x1  }
0x1b: {  	s28 =	sadd.s32 $0x2, s29  }
0x1c: {  	s30 =	sshll.u32 s28, $0x8;
	s28 =	sshll.u32 s28, $0x7  }
0x1d: {  	s30 =	sand.u32 $0x1F800, s30;
	s28 =	sand.u32 $0x380, s28  }
0x1e: {  	s28 =	sor.u32 s28, s30  }
0x1f: {  	[tilespmem:s16], [sflag:$0x3] =	stream.indirect.gather [hbm4b:s2+s8], $0x80, s28, s8, $0xb8;
	[tilespmem:$0x1EC00] =	vst v63  }
0x20: {  	s28 =	sor.u32 $0x400, s28  }
0x21: {  	[tilespmem:s17], [sflag:$0x6] =	stream.indirect.gather [hbm4b:s2+s10], $0x80, s28, s10, $0xb8;
	[tilespmem:$0x1EC00] =	vst v63  }
0x22: {  	_ =	swait.ge [sflag:s18], $0x4000  }
0x23: {  	[sflag:s18] =	ssyncset.done $0x0  }
0x24: {  	[sflag:s18] =	ssyncadd.s32 $0xFFFFC000  }
0x25: {  	v6 =	vld [tilespmem:$0x8000]  }
0x26: {  	v7 =	vld [tilespmem:$0x8010]  }
0x27: {  	v4 =	vld [tilespmem:$0x8020]  }
0x28: {  	v1 =	vld [tilespmem:$0x8030]  }
0x29: {  	v2 =	vld [tilespmem:$0x8040]  }
0x2a: {  	v3 =	vld [tilespmem:$0x8050]  }
0x2b: {  	v0 =	vld [tilespmem:$0x8060]  }
0x2c: {  	s31 =	simm.s32 $0x0;
	v5 =	vld [tilespmem:$0x8070]  }
0x2d: {  	v12 =	vld [tilespmem:s31+$0x80F0]  }
0x2e: {  	v13 =	vld [tilespmem:s31+$0x8080]  }
0x2f: {  	v14 =	vld [tilespmem:s31+$0x8090]  }
0x30: {  	v10 =	vld [tilespmem:s31+$0x80A0]  }
0x31: {  	v8 =	vld [tilespmem:s31+$0x80B0]  }
0x32: {  	v9 =	vld [tilespmem:s31+$0x80C0]  }
0x33: {  	v11 =	vld [tilespmem:s31+$0x80D0]  }
0x34: {  	s30 =	simm.s32 $0x400;
	s28 =	simm.s32 $0x80;
	v5 =	vmax.f32 v5, v12;
	v6 =	vmax.f32 v6, v13;
	v7 =	vmax.f32 v7, v14;
	v12 =	vld [tilespmem:s31+$0x80E0]  }
.LBB2_3:
0x35: {  	p0 =	sne.s32 s30, $0xFC00;
	v13 =	vld [tilespmem:s28+$0x80F0];
	v4 =	vmax.f32 v4, v10  }
0x36: {  	v14 =	vld [tilespmem:s28+$0x8080];
	v1 =	vmax.f32 v1, v8  }
0x37: {  	v15 =	vld [tilespmem:s28+$0x8090];
	v2 =	vmax.f32 v2, v9  }
.Ltmp0:
0x38: {  	v10 =	vld [tilespmem:s28+$0x80A0];
	v3 =	vmax.f32 v3, v11;
	(pc) =	sbr.rel @p0 .LBB2_3-.Ltmp0, $4  }
0x39: {  	v8 =	vld [tilespmem:s28+$0x80B0];
	v0 =	vmax.f32 v0, v12  }
0x3a: {  	v9 =	vld [tilespmem:s28+$0x80C0];
	v5 =	vmax.f32 v5, v13  }
0x3b: {  	v6 =	vmax.f32 v6, v14;
	v11 =	vld [tilespmem:s28+$0x80D0]  }
0x3c: {  	v7 =	vmax.f32 v7, v15;
	v12 =	vld [tilespmem:s28+$0x80E0];
	s28 =	sshra.s32 s30, $0x2;
	s30 =	sadd.s32 $0x200, s30  }
0x3d: {  	v13 =	vld [tilespmem:s28+$0x80F0]  }
0x3e: {  	v14 =	vld [tilespmem:s28+$0x8080]  }
0x3f: {  	v15 =	vld [tilespmem:s28+$0x8090]  }
0x40: {  	v16 =	vld [tilespmem:s28+$0x80A0]  }
0x41: {  	v17 =	vld [tilespmem:s28+$0x80B0]  }
0x42: {  	v18 =	vld [tilespmem:s28+$0x80C0]  }
0x43: {  	v19 =	vld [tilespmem:s28+$0x80D0]  }
0x44: {  	v20 =	vld [tilespmem:s28+$0x80E0];
	_ =	swait.ge [sflag:s19], $0x2400  }
0x45: {  	[sflag:s19] =	ssyncset.done $0x0  }
0x46: {  	s31 =	simm.s32 $0x0;
	[sflag:s19] =	ssyncadd.s32 $0xFFFFDC00  }
0x47: {  	v21 =	vld [tilespmem:s31+$0xC070]  }
0x48: {  	v22 =	vld [tilespmem:s31+$0xC000]  }
0x49: {  	v4 =	vmax.f32 v4, v10;
	v10 =	vld [tilespmem:s31+$0xC010]  }
0x4a: {  	v1 =	vmax.f32 v1, v8;
	v2 =	vmax.f32 v2, v9;
	v9 =	vmax.f32 v3, v11;
	v8 =	vld [tilespmem:s31+$0xC020]  }
0x4b: {  	v0 =	vmax.f32 v0, v12;
	v11 =	vmax.f32 v5, v13;
	v12 =	vmax.f32 v6, v14;
	v6 =	vld [tilespmem:s31+$0xC030]  }
0x4c: {  	v13 =	vmax.f32 v7, v15;
	v5 =	vmax.f32 v4, v16;
	v4 =	vmax.f32 v1, v17;
	v7 =	vld [tilespmem:s31+$0xC040]  }
0x4d: {  	v3 =	vmax.f32 v2, v18;
	v2 =	vmax.f32 v9, v19;
	v1 =	vmax.f32 v0, v20;
	v9 =	vld [tilespmem:s31+$0xC050]  }
0x4e: {  	s28 =	simm.s32 $0x80;
	s30 =	simm.s32 $0x400;
	v0 =	vmax.f32 v11, v21;
	v12 =	vmax.f32 v12, v22;
	v11 =	vmax.f32 v13, v10;
	v10 =	vld [tilespmem:s31+$0xC060]  }
.LBB2_5:
0x4f: {  	p0 =	sne.s32 s30, $0x8E00;
	v13 =	vld [tilespmem:s28+$0xC070];
	v5 =	vmax.f32 v5, v8  }
0x50: {  	v14 =	vld [tilespmem:s28+$0xC000];
	v4 =	vmax.f32 v4, v6  }
0x51: {  	v15 =	vld [tilespmem:s28+$0xC010];
	v3 =	vmax.f32 v3, v7  }
.Ltmp1:
0x52: {  	v8 =	vld [tilespmem:s28+$0xC020];
	v2 =	vmax.f32 v2, v9;
	(pc) =	sbr.rel @p0 .LBB2_5-.Ltmp1, $4  }
0x53: {  	v6 =	vld [tilespmem:s28+$0xC030];
	v1 =	vmax.f32 v1, v10  }
0x54: {  	v7 =	vld [tilespmem:s28+$0xC040];
	v0 =	vmax.f32 v0, v13  }
0x55: {  	v12 =	vmax.f32 v12, v14;
	v9 =	vld [tilespmem:s28+$0xC050]  }
0x56: {  	v11 =	vmax.f32 v11, v15;
	v10 =	vld [tilespmem:s28+$0xC060];
	s28 =	sshra.s32 s30, $0x2;
	s30 =	sadd.s32 $0x200, s30  }
0x57: {  	v13 =	vld [tilespmem:s28+$0xC070]  }
0x58: {  	v14 =	vld [tilespmem:s28+$0xC000]  }
0x59: {  	v15 =	vld [tilespmem:s28+$0xC010]  }
0x5a: {  	v16 =	vld [tilespmem:s28+$0xC020]  }
0x5b: {  	v17 =	vld [tilespmem:s28+$0xC030]  }
0x5c: {  	v18 =	vld [tilespmem:s28+$0xC040];
	s30 =	smul.u32 $0x600, s26  }
0x5d: {  	v19 =	vld [tilespmem:s28+$0xC050]  }
0x5e: {  	v12 =	vmax.f32 v12, v14;
	v14 =	vld [tilespmem:s28+$0xC060];
	s28 =	sshra.s32 s30, $0x2  }
0x5f: {  	v5 =	vmax.f32 v5, v8;
	v8 =	vmax.f32 v11, v15;
	[tilespmem:s28+$0x1AC00] =	vst v12  }
0x60: {  	v4 =	vmax.f32 v4, v6;
	v5 =	vmax.f32 v5, v16;
	[tilespmem:s28+$0x1AC10] =	vst v8  }
0x61: {  	v3 =	vmax.f32 v3, v7;
	v4 =	vmax.f32 v4, v17;
	[tilespmem:s28+$0x1AC20] =	vst v5  }
0x62: {  	v2 =	vmax.f32 v2, v9;
	v3 =	vmax.f32 v3, v18;
	[tilespmem:s28+$0x1AC30] =	vst v4  }
0x63: {  	v2 =	vmax.f32 v2, v19;
	s30 =	sadd.s32 $0x3, s29;
	[tilespmem:s28+$0x1AC40] =	vst v3  }
0x64: {  	v1 =	vmax.f32 v1, v10;
	v0 =	vmax.f32 v0, v13;
	[tilespmem:s28+$0x1AC50] =	vst v2;
	s31 =	sshll.u32 s30, $0x8;
	s30 =	sshll.u32 s30, $0x7  }
0x65: {  	[tilespmem:s28+$0x1AC70] =	vst v0;
	s31 =	sand.u32 $0x1F800, s31;
	s30 =	sand.u32 $0x380, s30;
	v1 =	vmax.f32 v1, v14  }
0x66: {  	s30 =	sor.u32 s30, s31;
	[tilespmem:s28+$0x1AC60] =	vst v1  }
0x67: {  	[tilespmem:s9], [sflag:$0x1] =	stream.indirect.gather [hbm4b:s2+s8], $0x80, s30, s8, $0xb8;
	[tilespmem:$0x1EC00] =	vst v63  }
0x68: {  	s30 =	sor.u32 $0x400, s30  }
0x69: {  	[tilespmem:s12], [sflag:$0x4] =	stream.indirect.gather [hbm4b:s2+s10], $0x80, s30, s10, $0xb8;
	[tilespmem:$0x1EC00] =	vst v63  }
0x6a: {  	_ =	swait.ge [sflag:s20], $0x4000  }
0x6b: {  	[sflag:s20] =	ssyncset.done $0x0  }
0x6c: {  	[sflag:s20] =	ssyncadd.s32 $0xFFFFC000  }
0x6d: {  	v6 =	vld [tilespmem:$0xE400]  }
0x6e: {  	v7 =	vld [tilespmem:$0xE410]  }
0x6f: {  	v4 =	vld [tilespmem:$0xE420]  }
0x70: {  	v1 =	vld [tilespmem:$0xE430]  }
0x71: {  	v2 =	vld [tilespmem:$0xE440]  }
0x72: {  	v3 =	vld [tilespmem:$0xE450]  }
0x73: {  	v0 =	vld [tilespmem:$0xE460]  }
0x74: {  	s1 =	simm.s32 $0x0;
	v5 =	vld [tilespmem:$0xE470]  }
0x75: {  	v12 =	vld [tilespmem:s1+$0xE4F0]  }
0x76: {  	v13 =	vld [tilespmem:s1+$0xE480]  }
0x77: {  	v14 =	vld [tilespmem:s1+$0xE490]  }
0x78: {  	v10 =	vld [tilespmem:s1+$0xE4A0]  }
0x79: {  	v8 =	vld [tilespmem:s1+$0xE4B0]  }
0x7a: {  	v9 =	vld [tilespmem:s1+$0xE4C0]  }
0x7b: {  	v11 =	vld [tilespmem:s1+$0xE4D0]  }
0x7c: {  	s31 =	simm.s32 $0x400;
	s30 =	simm.s32 $0x80;
	v5 =	vmax.f32 v5, v12;
	v6 =	vmax.f32 v6, v13;
	v7 =	vmax.f32 v7, v14;
	v12 =	vld [tilespmem:s1+$0xE4E0]  }
.LBB2_7:
0x7d: {  	p0 =	sne.s32 s31, $0xFC00;
	v13 =	vld [tilespmem:s30+$0xE4F0];
	v4 =	vmax.f32 v4, v10  }
0x7e: {  	v14 =	vld [tilespmem:s30+$0xE480];
	v1 =	vmax.f32 v1, v8  }
0x7f: {  	v15 =	vld [tilespmem:s30+$0xE490];
	v2 =	vmax.f32 v2, v9  }
.Ltmp2:
0x80: {  	v10 =	vld [tilespmem:s30+$0xE4A0];
	v3 =	vmax.f32 v3, v11;
	(pc) =	sbr.rel @p0 .LBB2_7-.Ltmp2, $4  }
0x81: {  	v8 =	vld [tilespmem:s30+$0xE4B0];
	v0 =	vmax.f32 v0, v12  }
0x82: {  	v9 =	vld [tilespmem:s30+$0xE4C0];
	v5 =	vmax.f32 v5, v13  }
0x83: {  	v6 =	vmax.f32 v6, v14;
	v11 =	vld [tilespmem:s30+$0xE4D0]  }
0x84: {  	v7 =	vmax.f32 v7, v15;
	v12 =	vld [tilespmem:s30+$0xE4E0];
	s30 =	sshra.s32 s31, $0x2;
	s31 =	sadd.s32 $0x200, s31  }
0x85: {  	v13 =	vld [tilespmem:s30+$0xE4F0]  }
0x86: {  	v14 =	vld [tilespmem:s30+$0xE480]  }
0x87: {  	v15 =	vld [tilespmem:s30+$0xE490]  }
0x88: {  	v16 =	vld [tilespmem:s30+$0xE4A0]  }
0x89: {  	v17 =	vld [tilespmem:s30+$0xE4B0]  }
0x8a: {  	v18 =	vld [tilespmem:s30+$0xE4C0]  }
0x8b: {  	v19 =	vld [tilespmem:s30+$0xE4D0]  }
0x8c: {  	v20 =	vld [tilespmem:s30+$0xE4E0];
	_ =	swait.ge [sflag:s21], $0x2400  }
0x8d: {  	[sflag:s21] =	ssyncset.done $0x0  }
0x8e: {  	s1 =	simm.s32 $0x0;
	[sflag:s21] =	ssyncadd.s32 $0xFFFFDC00  }
0x8f: {  	v21 =	vld [tilespmem:s1+$0x12470]  }
0x90: {  	v22 =	vld [tilespmem:s1+$0x12400]  }
0x91: {  	v4 =	vmax.f32 v4, v10;
	v10 =	vld [tilespmem:s1+$0x12410]  }
0x92: {  	v1 =	vmax.f32 v1, v8;
	v2 =	vmax.f32 v2, v9;
	v9 =	vmax.f32 v3, v11;
	v8 =	vld [tilespmem:s1+$0x12420]  }
0x93: {  	v0 =	vmax.f32 v0, v12;
	v11 =	vmax.f32 v5, v13;
	v12 =	vmax.f32 v6, v14;
	v6 =	vld [tilespmem:s1+$0x12430]  }
0x94: {  	v13 =	vmax.f32 v7, v15;
	v5 =	vmax.f32 v4, v16;
	v4 =	vmax.f32 v1, v17;
	v7 =	vld [tilespmem:s1+$0x12440]  }
0x95: {  	v3 =	vmax.f32 v2, v18;
	v2 =	vmax.f32 v9, v19;
	v1 =	vmax.f32 v0, v20;
	v9 =	vld [tilespmem:s1+$0x12450]  }
0x96: {  	s30 =	simm.s32 $0x80;
	s31 =	simm.s32 $0x400;
	v0 =	vmax.f32 v11, v21;
	v11 =	vmax.f32 v12, v22;
	v12 =	vmax.f32 v13, v10;
	v10 =	vld [tilespmem:s1+$0x12460]  }
.LBB2_9:
0x97: {  	p0 =	sne.s32 s31, $0x8E00;
	v13 =	vld [tilespmem:s30+$0x12470];
	v5 =	vmax.f32 v5, v8  }
0x98: {  	v14 =	vld [tilespmem:s30+$0x12400];
	v4 =	vmax.f32 v4, v6  }
0x99: {  	v15 =	vld [tilespmem:s30+$0x12410];
	v3 =	vmax.f32 v3, v7  }
.Ltmp3:
0x9a: {  	v8 =	vld [tilespmem:s30+$0x12420];
	v2 =	vmax.f32 v2, v9;
	(pc) =	sbr.rel @p0 .LBB2_9-.Ltmp3, $4  }
0x9b: {  	v6 =	vld [tilespmem:s30+$0x12430];
	v1 =	vmax.f32 v1, v10  }
0x9c: {  	v7 =	vld [tilespmem:s30+$0x12440];
	v0 =	vmax.f32 v0, v13  }
0x9d: {  	v11 =	vmax.f32 v11, v14;
	v9 =	vld [tilespmem:s30+$0x12450]  }
0x9e: {  	v12 =	vmax.f32 v12, v15;
	v10 =	vld [tilespmem:s30+$0x12460];
	s30 =	sshra.s32 s31, $0x2;
	s31 =	sadd.s32 $0x200, s31  }
0x9f: {  	v13 =	vld [tilespmem:s30+$0x12470]  }
0xa0: {  	v14 =	vld [tilespmem:s30+$0x12400]  }
0xa1: {  	v15 =	vld [tilespmem:s30+$0x12410]  }
0xa2: {  	v16 =	vld [tilespmem:s30+$0x12420]  }
0xa3: {  	v17 =	vld [tilespmem:s30+$0x12430]  }
0xa4: {  	v18 =	vld [tilespmem:s30+$0x12440]  }
0xa5: {  	v19 =	vld [tilespmem:s30+$0x12450];
	v11 =	vmax.f32 v11, v14  }
0xa6: {  	v5 =	vmax.f32 v5, v8;
	v14 =	vld [tilespmem:s30+$0x12460];
	v8 =	vmax.f32 v12, v15;
	[tilespmem:s28+$0x1AC80] =	vst v11  }
0xa7: {  	v4 =	vmax.f32 v4, v6;
	v5 =	vmax.f32 v5, v16;
	[tilespmem:s28+$0x1AC90] =	vst v8  }
0xa8: {  	v3 =	vmax.f32 v3, v7;
	v4 =	vmax.f32 v4, v17;
	[tilespmem:s28+$0x1ACA0] =	vst v5  }
0xa9: {  	v2 =	vmax.f32 v2, v9;
	v3 =	vmax.f32 v3, v18;
	[tilespmem:s28+$0x1ACB0] =	vst v4  }
0xaa: {  	s1 =	sadd.s32 $0x4, s29;
	v2 =	vmax.f32 v2, v19;
	[tilespmem:s28+$0x1ACC0] =	vst v3  }
0xab: {  	s29 =	sshll.u32 s1, $0x8;
	s1 =	sshll.u32 s1, $0x7;
	v1 =	vmax.f32 v1, v10;
	v0 =	vmax.f32 v0, v13;
	[tilespmem:s28+$0x1ACD0] =	vst v2  }
0xac: {  	s29 =	sand.u32 $0x1F800, s29;
	s1 =	sand.u32 $0x380, s1;
	[tilespmem:s28+$0x1ACF0] =	vst v0;
	v1 =	vmax.f32 v1, v14  }
0xad: {  	s1 =	sor.u32 s1, s29;
	[tilespmem:s28+$0x1ACE0] =	vst v1  }
0xae: {  	[tilespmem:s13], [sflag:$0x2] =	stream.indirect.gather [hbm4b:s2+s8], $0x80, s1, s8, $0xb8;
	[tilespmem:$0x1EC00] =	vst v63  }
0xaf: {  	s1 =	sor.u32 $0x400, s1  }
0xb0: {  	[tilespmem:s15], [sflag:$0x5] =	stream.indirect.gather [hbm4b:s2+s10], $0x80, s1, s10, $0xb8;
	[tilespmem:$0x1EC00] =	vst v63  }
0xb1: {  	_ =	swait.ge [sflag:s22], $0x4000  }
0xb2: {  	[sflag:s22] =	ssyncset.done $0x0  }
0xb3: {  	[sflag:s22] =	ssyncadd.s32 $0xFFFFC000  }
0xb4: {  	v6 =	vld [tilespmem:$0x14800]  }
0xb5: {  	v7 =	vld [tilespmem:$0x14810]  }
0xb6: {  	v4 =	vld [tilespmem:$0x14820]  }
0xb7: {  	v1 =	vld [tilespmem:$0x14830]  }
0xb8: {  	v2 =	vld [tilespmem:$0x14840]  }
0xb9: {  	v3 =	vld [tilespmem:$0x14850]  }
0xba: {  	v0 =	vld [tilespmem:$0x14860]  }
0xbb: {  	s31 =	simm.s32 $0x0;
	v5 =	vld [tilespmem:$0x14870]  }
0xbc: {  	v12 =	vld [tilespmem:s31+$0x148F0]  }
0xbd: {  	v13 =	vld [tilespmem:s31+$0x14880]  }
0xbe: {  	v14 =	vld [tilespmem:s31+$0x14890]  }
0xbf: {  	v10 =	vld [tilespmem:s31+$0x148A0]  }
0xc0: {  	v8 =	vld [tilespmem:s31+$0x148B0]  }
0xc1: {  	v9 =	vld [tilespmem:s31+$0x148C0]  }
0xc2: {  	v11 =	vld [tilespmem:s31+$0x148D0]  }
0xc3: {  	s29 =	simm.s32 $0x80;
	s30 =	simm.s32 $0x400;
	v5 =	vmax.f32 v5, v12;
	v6 =	vmax.f32 v6, v13;
	v7 =	vmax.f32 v7, v14;
	v12 =	vld [tilespmem:s31+$0x148E0]  }
.LBB2_11:
0xc4: {  	p0 =	sne.s32 s30, $0xFC00;
	v13 =	vld [tilespmem:s29+$0x148F0];
	v4 =	vmax.f32 v4, v10  }
0xc5: {  	v14 =	vld [tilespmem:s29+$0x14880];
	v1 =	vmax.f32 v1, v8  }
0xc6: {  	v15 =	vld [tilespmem:s29+$0x14890];
	v2 =	vmax.f32 v2, v9  }
.Ltmp4:
0xc7: {  	v10 =	vld [tilespmem:s29+$0x148A0];
	v3 =	vmax.f32 v3, v11;
	(pc) =	sbr.rel @p0 .LBB2_11-.Ltmp4, $4  }
0xc8: {  	v8 =	vld [tilespmem:s29+$0x148B0];
	v0 =	vmax.f32 v0, v12  }
0xc9: {  	v9 =	vld [tilespmem:s29+$0x148C0];
	v5 =	vmax.f32 v5, v13  }
0xca: {  	v6 =	vmax.f32 v6, v14;
	v11 =	vld [tilespmem:s29+$0x148D0]  }
0xcb: {  	v7 =	vmax.f32 v7, v15;
	v12 =	vld [tilespmem:s29+$0x148E0];
	s29 =	sshra.s32 s30, $0x2;
	s30 =	sadd.s32 $0x200, s30  }
0xcc: {  	v13 =	vld [tilespmem:s29+$0x148F0]  }
0xcd: {  	v14 =	vld [tilespmem:s29+$0x14880]  }
0xce: {  	v15 =	vld [tilespmem:s29+$0x14890]  }
0xcf: {  	v16 =	vld [tilespmem:s29+$0x148A0]  }
0xd0: {  	v17 =	vld [tilespmem:s29+$0x148B0]  }
0xd1: {  	v18 =	vld [tilespmem:s29+$0x148C0]  }
0xd2: {  	v19 =	vld [tilespmem:s29+$0x148D0]  }
0xd3: {  	v20 =	vld [tilespmem:s29+$0x148E0];
	_ =	swait.ge [sflag:s23], $0x2400  }
0xd4: {  	[sflag:s23] =	ssyncset.done $0x0  }
0xd5: {  	s1 =	simm.s32 $0x0;
	[sflag:s23] =	ssyncadd.s32 $0xFFFFDC00  }
0xd6: {  	v21 =	vld [tilespmem:s1+$0x18870]  }
0xd7: {  	v22 =	vld [tilespmem:s1+$0x18800]  }
0xd8: {  	v4 =	vmax.f32 v4, v10;
	v10 =	vld [tilespmem:s1+$0x18810]  }
0xd9: {  	v1 =	vmax.f32 v1, v8;
	v2 =	vmax.f32 v2, v9;
	v9 =	vmax.f32 v3, v11;
	v8 =	vld [tilespmem:s1+$0x18820]  }
0xda: {  	v0 =	vmax.f32 v0, v12;
	v11 =	vmax.f32 v5, v13;
	v12 =	vmax.f32 v6, v14;
	v6 =	vld [tilespmem:s1+$0x18830]  }
0xdb: {  	v13 =	vmax.f32 v7, v15;
	v5 =	vmax.f32 v4, v16;
	v4 =	vmax.f32 v1, v17;
	v7 =	vld [tilespmem:s1+$0x18840]  }
0xdc: {  	v3 =	vmax.f32 v2, v18;
	v2 =	vmax.f32 v9, v19;
	v1 =	vmax.f32 v0, v20;
	v9 =	vld [tilespmem:s1+$0x18850]  }
0xdd: {  	s29 =	simm.s32 $0x80;
	s30 =	simm.s32 $0x400;
	v0 =	vmax.f32 v11, v21;
	v11 =	vmax.f32 v12, v22;
	v12 =	vmax.f32 v13, v10;
	v10 =	vld [tilespmem:s1+$0x18860]  }
.LBB2_13:
0xde: {  	p0 =	sne.s32 s30, $0x8E00;
	v13 =	vld [tilespmem:s29+$0x18870];
	v5 =	vmax.f32 v5, v8  }
0xdf: {  	v14 =	vld [tilespmem:s29+$0x18800];
	v4 =	vmax.f32 v4, v6  }
0xe0: {  	v15 =	vld [tilespmem:s29+$0x18810];
	v3 =	vmax.f32 v3, v7  }
.Ltmp5:
0xe1: {  	v8 =	vld [tilespmem:s29+$0x18820];
	v2 =	vmax.f32 v2, v9;
	(pc) =	sbr.rel @p0 .LBB2_13-.Ltmp5, $4  }
0xe2: {  	v6 =	vld [tilespmem:s29+$0x18830];
	v1 =	vmax.f32 v1, v10  }
0xe3: {  	v7 =	vld [tilespmem:s29+$0x18840];
	v0 =	vmax.f32 v0, v13  }
0xe4: {  	v11 =	vmax.f32 v11, v14;
	v9 =	vld [tilespmem:s29+$0x18850]  }
0xe5: {  	v12 =	vmax.f32 v12, v15;
	v10 =	vld [tilespmem:s29+$0x18860];
	s29 =	sshra.s32 s30, $0x2;
	s30 =	sadd.s32 $0x200, s30  }
0xe6: {  	v13 =	vld [tilespmem:s29+$0x18870]  }
0xe7: {  	v14 =	vld [tilespmem:s29+$0x18800]  }
0xe8: {  	v15 =	vld [tilespmem:s29+$0x18810]  }
0xe9: {  	v16 =	vld [tilespmem:s29+$0x18820]  }
0xea: {  	v17 =	vld [tilespmem:s29+$0x18830]  }
0xeb: {  	v18 =	vld [tilespmem:s29+$0x18840]  }
0xec: {  	v19 =	vld [tilespmem:s29+$0x18850];
	v11 =	vmax.f32 v11, v14  }
0xed: {  	v62 =	vld [tilespmem:s29+$0x18860];
	v5 =	vmax.f32 v5, v8;
	v63 =	vmax.f32 v12, v15;
	[tilespmem:s28+$0x1AD00] =	vst v11  }
0xee: {  	s26 =	sadd.s32 $0x1, s26;
	v4 =	vmax.f32 v4, v6;
	v5 =	vmax.f32 v5, v16;
	[tilespmem:s28+$0x1AD10] =	vst v63  }
0xef: {  	p0 =	sne.s32 s26, $0x2A;
	v3 =	vmax.f32 v3, v7;
	v4 =	vmax.f32 v4, v17;
	[tilespmem:s28+$0x1AD20] =	vst v5  }
.Ltmp6:
0xf0: {  	v2 =	vmax.f32 v2, v9;
	v3 =	vmax.f32 v3, v18;
	[tilespmem:s28+$0x1AD30] =	vst v4;
	(pc) =	sbr.rel @p0 .LBB2_2-.Ltmp6, $4  }
0xf1: {  	v1 =	vmax.f32 v1, v10;
	v2 =	vmax.f32 v2, v19;
	[tilespmem:s28+$0x1AD40] =	vst v3  }
0xf2: {  	v1 =	vmax.f32 v1, v62;
	[tilespmem:s28+$0x1AD50] =	vst v2  }
0xf3: {  	v0 =	vmax.f32 v0, v13;
	[tilespmem:s28+$0x1AD60] =	vst v1  }
0xf4: {  	[tilespmem:s28+$0x1AD70] =	vst v0  }
0xf5: {  	_ =	swait.ge [sflag:s18], $0x4000  }
0xf6: {  	[sflag:s18] =	ssyncset.done $0x0  }
0xf7: {  	[sflag:s18] =	ssyncadd.s32 $0xFFFFC000  }
0xf8: {  	v6 =	vld [tilespmem:$0x8000]  }
0xf9: {  	v7 =	vld [tilespmem:$0x8010]  }
0xfa: {  	v4 =	vld [tilespmem:$0x8020]  }
0xfb: {  	v1 =	vld [tilespmem:$0x8030]  }
0xfc: {  	v2 =	vld [tilespmem:$0x8040]  }
0xfd: {  	v3 =	vld [tilespmem:$0x8050]  }
0xfe: {  	v0 =	vld [tilespmem:$0x8060]  }
0xff: {  	s1 =	simm.s32 $0x0;
	v5 =	vld [tilespmem:$0x8070]  }
0x100: {  	v12 =	vld [tilespmem:s1+$0x80F0]  }
0x101: {  	v13 =	vld [tilespmem:s1+$0x8080]  }
0x102: {  	v14 =	vld [tilespmem:s1+$0x8090]  }
0x103: {  	v10 =	vld [tilespmem:s1+$0x80A0]  }
0x104: {  	v8 =	vld [tilespmem:s1+$0x80B0]  }
0x105: {  	v9 =	vld [tilespmem:s1+$0x80C0]  }
0x106: {  	v11 =	vld [tilespmem:s1+$0x80D0]  }
0x107: {  	s26 =	simm.s32 $0x80;
	s28 =	simm.s32 $0x400;
	v5 =	vmax.f32 v5, v12;
	v6 =	vmax.f32 v6, v13;
	v7 =	vmax.f32 v7, v14;
	v12 =	vld [tilespmem:s1+$0x80E0]  }
.LBB2_16:
0x108: {  	p0 =	sne.s32 s28, $0xFC00;
	v13 =	vld [tilespmem:s26+$0x80F0];
	v4 =	vmax.f32 v4, v10  }
0x109: {  	v14 =	vld [tilespmem:s26+$0x8080];
	v1 =	vmax.f32 v1, v8  }
0x10a: {  	v15 =	vld [tilespmem:s26+$0x8090];
	v2 =	vmax.f32 v2, v9  }
.Ltmp7:
0x10b: {  	v10 =	vld [tilespmem:s26+$0x80A0];
	v3 =	vmax.f32 v3, v11;
	(pc) =	sbr.rel @p0 .LBB2_16-.Ltmp7, $4  }
0x10c: {  	v8 =	vld [tilespmem:s26+$0x80B0];
	v0 =	vmax.f32 v0, v12  }
0x10d: {  	v9 =	vld [tilespmem:s26+$0x80C0];
	v5 =	vmax.f32 v5, v13  }
0x10e: {  	v6 =	vmax.f32 v6, v14;
	v11 =	vld [tilespmem:s26+$0x80D0]  }
0x10f: {  	v7 =	vmax.f32 v7, v15;
	v12 =	vld [tilespmem:s26+$0x80E0];
	s26 =	sshra.s32 s28, $0x2;
	s28 =	sadd.s32 $0x200, s28  }
0x110: {  	v13 =	vld [tilespmem:s26+$0x80F0]  }
0x111: {  	v14 =	vld [tilespmem:s26+$0x8080]  }
0x112: {  	v15 =	vld [tilespmem:s26+$0x8090]  }
0x113: {  	v16 =	vld [tilespmem:s26+$0x80A0]  }
0x114: {  	v17 =	vld [tilespmem:s26+$0x80B0]  }
0x115: {  	v18 =	vld [tilespmem:s26+$0x80C0]  }
0x116: {  	v19 =	vld [tilespmem:s26+$0x80D0]  }
0x117: {  	v20 =	vld [tilespmem:s26+$0x80E0];
	_ =	swait.ge [sflag:s19], $0x2400  }
0x118: {  	[sflag:s19] =	ssyncset.done $0x0  }
0x119: {  	s1 =	simm.s32 $0x0;
	[sflag:s19] =	ssyncadd.s32 $0xFFFFDC00  }
0x11a: {  	v21 =	vld [tilespmem:s1+$0xC070]  }
0x11b: {  	v22 =	vld [tilespmem:s1+$0xC000]  }
0x11c: {  	v4 =	vmax.f32 v4, v10;
	v10 =	vld [tilespmem:s1+$0xC010]  }
0x11d: {  	v1 =	vmax.f32 v1, v8;
	v2 =	vmax.f32 v2, v9;
	v9 =	vmax.f32 v3, v11;
	v8 =	vld [tilespmem:s1+$0xC020]  }
0x11e: {  	v0 =	vmax.f32 v0, v12;
	v11 =	vmax.f32 v5, v13;
	v12 =	vmax.f32 v6, v14;
	v6 =	vld [tilespmem:s1+$0xC030]  }
0x11f: {  	v13 =	vmax.f32 v7, v15;
	v5 =	vmax.f32 v4, v16;
	v4 =	vmax.f32 v1, v17;
	v7 =	vld [tilespmem:s1+$0xC040]  }
0x120: {  	v3 =	vmax.f32 v2, v18;
	v2 =	vmax.f32 v9, v19;
	v1 =	vmax.f32 v0, v20;
	v9 =	vld [tilespmem:s1+$0xC050]  }
0x121: {  	s26 =	simm.s32 $0x80;
	s28 =	simm.s32 $0x400;
	v0 =	vmax.f32 v11, v21;
	v11 =	vmax.f32 v12, v22;
	v12 =	vmax.f32 v13, v10;
	v10 =	vld [tilespmem:s1+$0xC060]  }
.LBB2_18:
0x122: {  	p0 =	sne.s32 s28, $0x8E00;
	v13 =	vld [tilespmem:s26+$0xC070];
	v5 =	vmax.f32 v5, v8  }
0x123: {  	v14 =	vld [tilespmem:s26+$0xC000];
	v4 =	vmax.f32 v4, v6  }
0x124: {  	v15 =	vld [tilespmem:s26+$0xC010];
	v3 =	vmax.f32 v3, v7  }
.Ltmp8:
0x125: {  	v8 =	vld [tilespmem:s26+$0xC020];
	v2 =	vmax.f32 v2, v9;
	(pc) =	sbr.rel @p0 .LBB2_18-.Ltmp8, $4  }
0x126: {  	v6 =	vld [tilespmem:s26+$0xC030];
	v1 =	vmax.f32 v1, v10  }
0x127: {  	v7 =	vld [tilespmem:s26+$0xC040];
	v0 =	vmax.f32 v0, v13  }
0x128: {  	v11 =	vmax.f32 v11, v14;
	v9 =	vld [tilespmem:s26+$0xC050]  }
0x129: {  	v12 =	vmax.f32 v12, v15;
	v10 =	vld [tilespmem:s26+$0xC060];
	s26 =	sshra.s32 s28, $0x2;
	s28 =	sadd.s32 $0x200, s28  }
0x12a: {  	v13 =	vld [tilespmem:s26+$0xC070]  }
0x12b: {  	v14 =	vld [tilespmem:s26+$0xC000]  }
0x12c: {  	v15 =	vld [tilespmem:s26+$0xC010]  }
0x12d: {  	v16 =	vld [tilespmem:s26+$0xC020]  }
0x12e: {  	v17 =	vld [tilespmem:s26+$0xC030]  }
0x12f: {  	v18 =	vld [tilespmem:s26+$0xC040]  }
0x130: {  	v19 =	vld [tilespmem:s26+$0xC050];
	v11 =	vmax.f32 v11, v14  }
0x131: {  	v5 =	vmax.f32 v5, v8;
	v14 =	vld [tilespmem:s26+$0xC060];
	v8 =	vmax.f32 v12, v15;
	[tilespmem:$0x1EB00] =	vst v11  }
0x132: {  	v4 =	vmax.f32 v4, v6;
	v5 =	vmax.f32 v5, v16;
	[tilespmem:$0x1EB10] =	vst v8  }
0x133: {  	v3 =	vmax.f32 v3, v7;
	v4 =	vmax.f32 v4, v17;
	[tilespmem:$0x1EB20] =	vst v5  }
0x134: {  	v2 =	vmax.f32 v2, v9;
	v3 =	vmax.f32 v3, v18;
	[tilespmem:$0x1EB30] =	vst v4  }
0x135: {  	v2 =	vmax.f32 v2, v19;
	[tilespmem:$0x1EB40] =	vst v3  }
0x136: {  	v1 =	vmax.f32 v1, v10;
	v0 =	vmax.f32 v0, v13;
	[tilespmem:$0x1EB50] =	vst v2  }
0x137: {  	[tilespmem:$0x1EB70] =	vst v0;
	v1 =	vmax.f32 v1, v14  }
0x138: {  	[tilespmem:$0x1EB60] =	vst v1  }
0x139: {  	_ =	swait.ge [sflag:s20], $0x4000  }
0x13a: {  	[sflag:s20] =	ssyncset.done $0x0  }
0x13b: {  	[sflag:s20] =	ssyncadd.s32 $0xFFFFC000  }
0x13c: {  	v6 =	vld [tilespmem:$0xE400]  }
0x13d: {  	v7 =	vld [tilespmem:$0xE410]  }
0x13e: {  	v4 =	vld [tilespmem:$0xE420]  }
0x13f: {  	v1 =	vld [tilespmem:$0xE430]  }
0x140: {  	v2 =	vld [tilespmem:$0xE440]  }
0x141: {  	v3 =	vld [tilespmem:$0xE450]  }
0x142: {  	v0 =	vld [tilespmem:$0xE460]  }
0x143: {  	s1 =	simm.s32 $0x0;
	v5 =	vld [tilespmem:$0xE470]  }
0x144: {  	v12 =	vld [tilespmem:s1+$0xE4F0]  }
0x145: {  	v13 =	vld [tilespmem:s1+$0xE480]  }
0x146: {  	v14 =	vld [tilespmem:s1+$0xE490]  }
0x147: {  	v10 =	vld [tilespmem:s1+$0xE4A0]  }
0x148: {  	v8 =	vld [tilespmem:s1+$0xE4B0]  }
0x149: {  	v9 =	vld [tilespmem:s1+$0xE4C0]  }
0x14a: {  	v11 =	vld [tilespmem:s1+$0xE4D0]  }
0x14b: {  	s28 =	simm.s32 $0x400;
	s26 =	simm.s32 $0x80;
	v5 =	vmax.f32 v5, v12;
	v6 =	vmax.f32 v6, v13;
	v7 =	vmax.f32 v7, v14;
	v12 =	vld [tilespmem:s1+$0xE4E0]  }
.LBB2_20:
0x14c: {  	p0 =	sne.s32 s28, $0xFC00;
	v13 =	vld [tilespmem:s26+$0xE4F0];
	v4 =	vmax.f32 v4, v10  }
0x14d: {  	v14 =	vld [tilespmem:s26+$0xE480];
	v1 =	vmax.f32 v1, v8  }
0x14e: {  	v15 =	vld [tilespmem:s26+$0xE490];
	v2 =	vmax.f32 v2, v9  }
.Ltmp9:
0x14f: {  	v10 =	vld [tilespmem:s26+$0xE4A0];
	v3 =	vmax.f32 v3, v11;
	(pc) =	sbr.rel @p0 .LBB2_20-.Ltmp9, $4  }
0x150: {  	v8 =	vld [tilespmem:s26+$0xE4B0];
	v0 =	vmax.f32 v0, v12  }
0x151: {  	v9 =	vld [tilespmem:s26+$0xE4C0];
	v5 =	vmax.f32 v5, v13  }
0x152: {  	v6 =	vmax.f32 v6, v14;
	v11 =	vld [tilespmem:s26+$0xE4D0]  }
0x153: {  	v7 =	vmax.f32 v7, v15;
	v12 =	vld [tilespmem:s26+$0xE4E0];
	s26 =	sshra.s32 s28, $0x2;
	s28 =	sadd.s32 $0x200, s28  }
0x154: {  	v13 =	vld [tilespmem:s26+$0xE4F0]  }
0x155: {  	v14 =	vld [tilespmem:s26+$0xE480]  }
0x156: {  	v15 =	vld [tilespmem:s26+$0xE490]  }
0x157: {  	v16 =	vld [tilespmem:s26+$0xE4A0]  }
0x158: {  	v17 =	vld [tilespmem:s26+$0xE4B0]  }
0x159: {  	v18 =	vld [tilespmem:s26+$0xE4C0]  }
0x15a: {  	v19 =	vld [tilespmem:s26+$0xE4D0]  }
0x15b: {  	v20 =	vld [tilespmem:s26+$0xE4E0];
	_ =	swait.ge [sflag:s21], $0x2400  }
0x15c: {  	[sflag:s21] =	ssyncset.done $0x0  }
0x15d: {  	s1 =	simm.s32 $0x0;
	[sflag:s21] =	ssyncadd.s32 $0xFFFFDC00  }
0x15e: {  	v21 =	vld [tilespmem:s1+$0x12470]  }
0x15f: {  	v22 =	vld [tilespmem:s1+$0x12400]  }
0x160: {  	v4 =	vmax.f32 v4, v10;
	v10 =	vld [tilespmem:s1+$0x12410]  }
0x161: {  	v1 =	vmax.f32 v1, v8;
	v2 =	vmax.f32 v2, v9;
	v9 =	vmax.f32 v3, v11;
	v8 =	vld [tilespmem:s1+$0x12420]  }
0x162: {  	v0 =	vmax.f32 v0, v12;
	v11 =	vmax.f32 v5, v13;
	v12 =	vmax.f32 v6, v14;
	v6 =	vld [tilespmem:s1+$0x12430]  }
0x163: {  	v13 =	vmax.f32 v7, v15;
	v5 =	vmax.f32 v4, v16;
	v4 =	vmax.f32 v1, v17;
	v7 =	vld [tilespmem:s1+$0x12440]  }
0x164: {  	v3 =	vmax.f32 v2, v18;
	v2 =	vmax.f32 v9, v19;
	v1 =	vmax.f32 v0, v20;
	v9 =	vld [tilespmem:s1+$0x12450]  }
0x165: {  	s26 =	simm.s32 $0x80;
	s28 =	simm.s32 $0x400;
	v0 =	vmax.f32 v11, v21;
	v11 =	vmax.f32 v12, v22;
	v12 =	vmax.f32 v13, v10;
	v10 =	vld [tilespmem:s1+$0x12460]  }
.LBB2_22:
0x166: {  	p0 =	sne.s32 s28, $0x8E00;
	v13 =	vld [tilespmem:s26+$0x12470];
	v5 =	vmax.f32 v5, v8  }
0x167: {  	v14 =	vld [tilespmem:s26+$0x12400];
	v4 =	vmax.f32 v4, v6  }
0x168: {  	v15 =	vld [tilespmem:s26+$0x12410];
	v3 =	vmax.f32 v3, v7  }
.Ltmp10:
0x169: {  	v8 =	vld [tilespmem:s26+$0x12420];
	v2 =	vmax.f32 v2, v9;
	(pc) =	sbr.rel @p0 .LBB2_22-.Ltmp10, $4  }
0x16a: {  	v6 =	vld [tilespmem:s26+$0x12430];
	v1 =	vmax.f32 v1, v10  }
0x16b: {  	v7 =	vld [tilespmem:s26+$0x12440];
	v0 =	vmax.f32 v0, v13  }
0x16c: {  	v11 =	vmax.f32 v11, v14;
	v9 =	vld [tilespmem:s26+$0x12450]  }
0x16d: {  	v12 =	vmax.f32 v12, v15;
	v10 =	vld [tilespmem:s26+$0x12460];
	s26 =	sshra.s32 s28, $0x2;
	s28 =	sadd.s32 $0x200, s28  }
0x16e: {  	v13 =	vld [tilespmem:s26+$0x12470]  }
0x16f: {  	v14 =	vld [tilespmem:s26+$0x12400]  }
0x170: {  	v15 =	vld [tilespmem:s26+$0x12410]  }
0x171: {  	v16 =	vld [tilespmem:s26+$0x12420]  }
0x172: {  	v17 =	vld [tilespmem:s26+$0x12430]  }
0x173: {  	v18 =	vld [tilespmem:s26+$0x12440]  }
0x174: {  	v19 =	vld [tilespmem:s26+$0x12450];
	v11 =	vmax.f32 v11, v14  }
0x175: {  	v62 =	vld [tilespmem:s26+$0x12460];
	v5 =	vmax.f32 v5, v8;
	v63 =	vmax.f32 v12, v15;
	[tilespmem:$0x1EB80] =	vst v11  }
0x176: {  	v4 =	vmax.f32 v4, v6;
	v5 =	vmax.f32 v5, v16;
	[tilespmem:$0x1EB90] =	vst v63  }
0x177: {  	v3 =	vmax.f32 v3, v7;
	v4 =	vmax.f32 v4, v17;
	[tilespmem:$0x1EBA0] =	vst v5  }
0x178: {  	v2 =	vmax.f32 v2, v9;
	v3 =	vmax.f32 v3, v18;
	[tilespmem:$0x1EBB0] =	vst v4  }
0x179: {  	v1 =	vmax.f32 v1, v10;
	v2 =	vmax.f32 v2, v19;
	[tilespmem:$0x1EBC0] =	vst v3  }
0x17a: {  	s25 =	sadd.s32 $0x1, s25;
	v1 =	vmax.f32 v1, v62;
	[tilespmem:$0x1EBD0] =	vst v2  }
0x17b: {  	p0 =	sne.s32 s25, s6;
	v0 =	vmax.f32 v0, v13;
	[tilespmem:$0x1EBE0] =	vst v1  }
.Ltmp11:
0x17c: {  	[tilespmem:$0x1EBF0] =	vst v0;
	(pc) =	sbr.rel @p0 .LBB2_1-.Ltmp11, $4  }
0x17d: {  	[hbm4b:s5+s3] =	stream.linear.scatter [tilespmem:s24], [sflag:$0x7], $0x4000, $0x38;
	[tilespmem:$0x1EC00] =	vst v63  }
0x17e: {  	_ =	swait.ge [sflag:s7], $0x4000  }
0x17f: {  	[sflag:s7] =	ssyncset.done $0x0  }
0x180: {  	[sflag:s7] =	ssyncadd.s32 $0xFFFFC000  }
0x181: {  	_ =	sfence.sel $0x180000  }
0x182: {  	[bflag:$0x0] =	sbarrier.arrive $0xFFFF  }
0x183: {  	_ =	strace $0x90000047  }
0x184: {  	[bflag:$0x2] =	sbarrier.arrive $0xFFFF  }
0x185: {  	p0 =	sne.s32 s0, $0x0;
	s0 =	rddreg [dreg:$0x3]  }
0x186: {  	s0 =	sadd.s32 @!p0 $0x100000, s0  }
0x187: {  	[sflag:s0] =	ssyncadd.tile.s32 @!p0 $0x1;
	_ =	shalt  }
.Lfunc_end2:
_tile_overlayer_lowered:
.L_overlay_start_2:
0x188: {  	(tag) =	ssettag $0x2  }
0x189: {  	s0 =	rddreg [dreg:$0x0];
	s2 =	stileid.u32  }
0x18a: {  	s1 =	rddreg [dreg:$0x1];
	p0 =	sne.s32 s2, $0x0  }
0x18b: {  	s3 =	rddreg [dreg:$0x2];
	[bflag:$0x3] =	sbarrier.arrive $0xFFFF;
	s2 =	simm.s32 @!p0 $0x1C07  }
0x18c: {  	[timem:s3], [sflag:s2] =	dma.local @!p0 [hbm:s0], s1  }
0x18d: {  	s0 =	simm.s32 @!p0 $0x7  }
0x18e: {  	_ =	swait.ge @!p0 [sflag:s0], s1  }
0x18f: {  	s1 =	ssub.s32 @!p0 $0x0, s1;
	[sflag:s0] =	ssyncset.done @!p0 $0x0  }
0x190: {  	[sflag:s0] =	ssyncadd.s32 @!p0 s1  }
0x191: {  	[bflag:$0x3] =	sbarrier.arrive $0xFFFF  }
0x192: {  	_ =	shalt  }

</sc_bundles>
